<compile_context>
chip_gen: v7x
topology: tpu7x:2x2x1
jax: 0.10.2.dev20260603
libtpu: 0.0.44.dev20260713+nightly
codegen_flags: <defaults>
</compile_context>

<pallas_src>
import functools

import jax
import jax.numpy as jnp
from jax import lax
from jax.experimental import pallas as pl
from jax.experimental.pallas import tpu as pltpu
from jax.experimental.pallas import tpu_sc as plsc

EMBED = 128
SEQ = 200
NC = 2
NS = 16
NW = NC * NS
IDXW = 100
NBUF = 3


@functools.partial(jax.jit, static_argnums=(3,))
def _tok_pos_embed(idx2d, token_table, pos_table, total):
    seq_per_w = total // NW // SEQ
    rows_per_w = total // NW
    irows_per_w = rows_per_w // IDXW

    mesh = plsc.VectorSubcoreMesh(core_axis_name="c", subcore_axis_name="s")

    @functools.partial(
        pl.kernel,
        mesh=mesh,
        out_type=jax.ShapeDtypeStruct((total, EMBED), jnp.float32),
        scratch_types=[
            pltpu.VMEM((irows_per_w, IDXW), jnp.int32),
            pltpu.VMEM((NBUF, SEQ, EMBED), jnp.float32),
            pltpu.VMEM_SHARED((SEQ, EMBED), jnp.float32),
            [pltpu.SemaphoreType.DMA] * NBUF,
            [pltpu.SemaphoreType.DMA] * NBUF,
        ],
    )
    def emb(idx_hbm, tok_hbm, pos_hbm, out_hbm, idx_v, rows_v, pos_v,
            gsems, osems):
        wid = lax.axis_index("s") * NC + lax.axis_index("c")

        @pl.when(lax.axis_index("s") == 0)
        def _():
            pltpu.sync_copy(pos_hbm, pos_v)

        plsc.subcore_barrier()
        pltpu.sync_copy(idx_hbm.at[pl.ds(wid * irows_per_w, irows_per_w)],
                        idx_v)

        def start_chunk(c, b):
            irow = c * (SEQ // IDXW)
            pltpu.sync_copy(pos_v, rows_v.at[b])
            pltpu.async_copy(tok_hbm.at[idx_v.at[irow]],
                             rows_v.at[b].at[pl.ds(0, IDXW)],
                             gsems[b], add=True)
            pltpu.async_copy(tok_hbm.at[idx_v.at[irow + 1]],
                             rows_v.at[b].at[pl.ds(IDXW, IDXW)],
                             gsems[b], add=True)

        def finish_chunk(c, b):
            pltpu.make_async_copy(tok_hbm.at[idx_v.at[0]],
                                  rows_v.at[b].at[pl.ds(0, IDXW)],
                                  gsems[b]).wait()
            pltpu.make_async_copy(tok_hbm.at[idx_v.at[0]],
                                  rows_v.at[b].at[pl.ds(IDXW, IDXW)],
                                  gsems[b]).wait()
            pltpu.async_copy(rows_v.at[b],
                             out_hbm.at[pl.ds(wid * rows_per_w + c * SEQ,
                                              SEQ)],
                             osems[b])

        def wait_out(b):
            pltpu.make_async_copy(
                rows_v.at[b],
                out_hbm.at[pl.ds(wid * rows_per_w, SEQ)],
                osems[b]).wait()

        ngroups = seq_per_w // NBUF
        ntail = seq_per_w - ngroups * NBUF

        def loop_body(g, carry):
            for b in range(NBUF):
                @pl.when(g > 0)
                def _():
                    wait_out(b)

                start_chunk(g * NBUF + b, b)
            for b in range(NBUF):
                finish_chunk(g * NBUF + b, b)
            return carry

        lax.fori_loop(0, ngroups, loop_body, 0)
        for b in range(ntail):
            wait_out(b)
            start_chunk(ngroups * NBUF + b, b)
        for b in range(ntail):
            finish_chunk(ngroups * NBUF + b, b)
        for b in range(NBUF):
            wait_out(b)

    return emb(idx2d, token_table, pos_table)


def kernel(x, token_table, pos_table):
    batch, seq = x.shape
    total = batch * seq
    idx2d = x.reshape(total // IDXW, IDXW).astype(jnp.int32)
    out = _tok_pos_embed(idx2d, token_table, pos_table, total)
    return out.reshape(batch, seq, EMBED)

# --- scband reference (transcript-rebuilt; emitter-appended) ---
"""Pipeline reference for scband-token-and-position-embedding-5085241279176 (READ-ONLY COPY).

The authoritative reference and input builder live on the scoring server;
editing this copy changes nothing except your own understanding.
"""

import jax, jax.numpy as jnp
import numpy as np

VOCAB = 100000
MAXLEN = 200
EMBED_DIM = 128
BATCH = 4096
SEQ = 200

def setup_inputs(seed: int = 0) -> dict:
    key = jax.random.key(seed)
    k1, k2, k3 = jax.random.split(key, 3)
    x = jax.random.randint(k1, (BATCH, SEQ), 0, VOCAB, dtype=jnp.int64 if jax.config.jax_enable_x64 else jnp.int32)
    token_table = jax.random.normal(k2, (VOCAB, EMBED_DIM), dtype=jnp.float32) * 0.05
    pos_table = jax.random.normal(k3, (MAXLEN, EMBED_DIM), dtype=jnp.float32) * 0.05
    return {"x": x, "token_table": token_table, "pos_table": pos_table}

def reference(x, token_table, pos_table):
    seqlen = x.shape[-1]
    positions = jnp.arange(seqlen)
    pos_emb = jnp.take(pos_table, positions, axis=0)          # [seq, d]
    tok_emb = jnp.take(token_table, x, axis=0)                # [B, seq, d]
    return tok_emb + pos_emb[None, :, :]

if __name__ == "__main__":
    import jax
    _d = setup_inputs()
    print(jax.jit(kernel)(*tuple(_d.values())))

</pallas_src>

<mosaic_0001>
#map = affine_map<(d0, d1) -> (0, 0)>
module attributes {stable_mosaic.version = 14 : i64} {
  func.func @emb(%arg0: i32, %arg1: i32, %arg2: memref<8192x100xi32, #tpu.memory_space<hbm>>, %arg3: memref<100000x128xf32, #tpu.memory_space<hbm>>, %arg4: memref<200x128xf32, #tpu.memory_space<hbm>>, %arg5: memref<819200x128xf32, #tpu.memory_space<hbm>>, %arg6: memref<256x100xi32, #tpu.memory_space<vmem>>, %arg7: memref<3x200x128xf32, #tpu.memory_space<vmem>>, %arg8: memref<200x128xf32, #tpu.memory_space<vmem_shared>>, %arg9: memref<!tpu.dma_semaphore, #tpu.memory_space<semaphore_mem>>, %arg10: memref<!tpu.dma_semaphore, #tpu.memory_space<semaphore_mem>>, %arg11: memref<!tpu.dma_semaphore, #tpu.memory_space<semaphore_mem>>, %arg12: memref<!tpu.dma_semaphore, #tpu.memory_space<semaphore_mem>>, %arg13: memref<!tpu.dma_semaphore, #tpu.memory_space<semaphore_mem>>, %arg14: memref<!tpu.dma_semaphore, #tpu.memory_space<semaphore_mem>>) attributes {dimension_semantics = [#tpu.dimension_semantics<core_parallel>, #tpu.dimension_semantics<subcore_parallel>], iteration_bounds = array<i64: 2, 16>, scalar_prefetch = 0 : i64, scratch_operands = 9 : i64, tpu.core_type = #tpu.core_type<sc_vector_subcore>, window_params = [{transform_indices = #map}, {transform_indices = #map}, {transform_indices = #map}, {transform_indices = #map}]} {
    %mul3A = arith.constant 2 : i32
    %mul3A_0 = arith.muli %arg1, %mul3A : i32
    %add3A = arith.addi %mul3A_0, %arg0 : i32
    %eq3A = arith.constant 0 : i32
    %eq3A_1 = arith.cmpi eq, %arg1, %eq3A : i32
    %convert_element_type3A = arith.extui %eq3A_1 : i1 to i32
    %cond3A = arith.constant 0 : i32
    %cond3A_2 = arith.cmpi ne, %convert_element_type3A, %cond3A : i32
    scf.if %cond3A_2 {
      "tpu.region"() ({
        %run_scoped3A_238 = tpu.sem_alloc : memref<!tpu.dma_semaphore, #tpu.memory_space<semaphore_mem>>
        tpu.enqueue_dma source(%arg4 : memref<200x128xf32, #tpu.memory_space<hbm>>) target(%arg8 : memref<200x128xf32, #tpu.memory_space<vmem_shared>>) target_semaphore(%run_scoped3A_238 : memref<!tpu.dma_semaphore, #tpu.memory_space<semaphore_mem>>)
        tpu.wait_dma2 semaphore(%run_scoped3A_238 : memref<!tpu.dma_semaphore, #tpu.memory_space<semaphore_mem>>) src(%arg4 : memref<200x128xf32, #tpu.memory_space<hbm>>) dst(%arg8 : memref<200x128xf32, #tpu.memory_space<vmem_shared>>)
        tpu.yield
      }) : () -> ()
    } else {
    }
    %barrier3A = arith.constant 0 : index
    tpu.barrier barrier_id(%barrier3A)
    %mul3A_3 = arith.constant 256 : i32
    %mul3A_4 = arith.muli %add3A, %mul3A_3 : i32
    "tpu.region"() ({
      %run_scoped3A_238 = tpu.sem_alloc : memref<!tpu.dma_semaphore, #tpu.memory_space<semaphore_mem>>
      %dma_start3A_239 = arith.constant 0 : i32
      %dma_start3A_240 = tpu.memref_slice %arg2[%mul3A_4, %dma_start3A_239] : memref<8192x100xi32, #tpu.memory_space<hbm>> -> memref<256x100xi32, #tpu.memory_space<hbm>>
      %dma_start3A_241 = arith.constant 0 : i32
      %dma_start3A_242 = tpu.memref_slice %arg2[%mul3A_4, %dma_start3A_241] : memref<8192x100xi32, #tpu.memory_space<hbm>> -> memref<256x100xi32, #tpu.memory_space<hbm>>
      tpu.enqueue_dma source(%dma_start3A_242 : memref<256x100xi32, #tpu.memory_space<hbm>>) target(%arg6 : memref<256x100xi32, #tpu.memory_space<vmem>>) target_semaphore(%run_scoped3A_238 : memref<!tpu.dma_semaphore, #tpu.memory_space<semaphore_mem>>)
      %dma_wait3A_243 = arith.constant 0 : i32
      %dma_wait3A_244 = tpu.memref_slice %arg2[%mul3A_4, %dma_wait3A_243] : memref<8192x100xi32, #tpu.memory_space<hbm>> -> memref<256x100xi32, #tpu.memory_space<hbm>>
      %dma_wait3A_245 = arith.constant 0 : i32
      %dma_wait3A_246 = tpu.memref_slice %arg2[%mul3A_4, %dma_wait3A_245] : memref<8192x100xi32, #tpu.memory_space<hbm>> -> memref<256x100xi32, #tpu.memory_space<hbm>>
      tpu.wait_dma2 semaphore(%run_scoped3A_238 : memref<!tpu.dma_semaphore, #tpu.memory_space<semaphore_mem>>) src(%dma_wait3A_246 : memref<256x100xi32, #tpu.memory_space<hbm>>) dst(%arg6 : memref<256x100xi32, #tpu.memory_space<vmem>>)
      tpu.yield
    }) : () -> ()
    %scan3A = arith.constant 0 : i32
    %scan3A_5 = arith.constant 0 : i32
    %scan3A_6 = arith.constant 42 : i32
    %scan3A_7 = arith.addi %scan3A_5, %scan3A_6 : i32
    %scan3A_8 = arith.constant 1 : i32
    scf.for %scan3A_238 = %scan3A_5 to %scan3A_7 step %scan3A_8  : i32 {
      %gt3A = arith.constant 0 : i32
      %gt3A_239 = arith.cmpi sgt, %scan3A_238, %gt3A : i32
      %convert_element_type3A_240 = arith.extui %gt3A_239 : i1 to i32
      %cond3A_241 = arith.constant 0 : i32
      %cond3A_242 = arith.cmpi ne, %convert_element_type3A_240, %cond3A_241 : i32
      scf.if %cond3A_242 {
        %mul3A_520 = arith.constant 25600 : i32
        %mul3A_521 = arith.muli %add3A, %mul3A_520 : i32
        %dma_wait3A_522 = arith.constant 0 : i32
        %dma_wait3A_523 = arith.constant 0 : i32
        %dma_wait3A_524 = arith.constant 0 : i32
        %dma_wait3A_525 = tpu.memref_slice %arg7[%dma_wait3A_522, %dma_wait3A_523, %dma_wait3A_524] : memref<3x200x128xf32, #tpu.memory_space<vmem>> -> memref<1x200x128xf32, #tpu.memory_space<vmem>>
        %dma_wait3A_526 = tpu.memref_squeeze %dma_wait3A_525 : memref<1x200x128xf32, #tpu.memory_space<vmem>> -> memref<200x128xf32, #tpu.memory_space<vmem>>
        %dma_wait3A_527 = arith.constant 0 : i32
        %dma_wait3A_528 = tpu.memref_slice %arg5[%mul3A_521, %dma_wait3A_527] : memref<819200x128xf32, #tpu.memory_space<hbm>> -> memref<200x128xf32, #tpu.memory_space<hbm>>
        %dma_wait3A_529 = arith.constant 0 : i32
        %dma_wait3A_530 = tpu.memref_slice %arg5[%mul3A_521, %dma_wait3A_529] : memref<819200x128xf32, #tpu.memory_space<hbm>> -> memref<200x128xf32, #tpu.memory_space<hbm>>
        %dma_wait3A_531 = arith.constant 0 : i32
        %dma_wait3A_532 = arith.constant 0 : i32
        %dma_wait3A_533 = tpu.memref_slice %arg7[%dma_wait3A_522, %dma_wait3A_531, %dma_wait3A_532] : memref<3x200x128xf32, #tpu.memory_space<vmem>> -> memref<1x200x128xf32, #tpu.memory_space<vmem>>
        %dma_wait3A_534 = tpu.memref_squeeze %dma_wait3A_533 : memref<1x200x128xf32, #tpu.memory_space<vmem>> -> memref<200x128xf32, #tpu.memory_space<vmem>>
        tpu.wait_dma2 semaphore(%arg12 : memref<!tpu.dma_semaphore, #tpu.memory_space<semaphore_mem>>) src(%dma_wait3A_534 : memref<200x128xf32, #tpu.memory_space<vmem>>) dst(%dma_wait3A_530 : memref<200x128xf32, #tpu.memory_space<hbm>>)
      } else {
      }
      %mul3A_243 = arith.constant 3 : i32
      %mul3A_244 = arith.muli %scan3A_238, %mul3A_243 : i32
      %add3A_245 = arith.constant 0 : i32
      %add3A_246 = arith.addi %mul3A_244, %add3A_245 : i32
      %mul3A_247 = arith.constant 2 : i32
      %mul3A_248 = arith.muli %add3A_246, %mul3A_247 : i32
      %run_scoped3A_249 = arith.constant 0 : i32
      "tpu.region"() ({
        %run_scoped3A_520 = tpu.sem_alloc : memref<!tpu.dma_semaphore, #tpu.memory_space<semaphore_mem>>
        %dma_start3A_521 = arith.constant 0 : i32
        %dma_start3A_522 = arith.constant 0 : i32
        %dma_start3A_523 = tpu.memref_slice %arg7[%run_scoped3A_249, %dma_start3A_521, %dma_start3A_522] : memref<3x200x128xf32, #tpu.memory_space<vmem>> -> memref<1x200x128xf32, #tpu.memory_space<vmem>>
        %dma_start3A_524 = tpu.memref_squeeze %dma_start3A_523 : memref<1x200x128xf32, #tpu.memory_space<vmem>> -> memref<200x128xf32, #tpu.memory_space<vmem>>
        %dma_start3A_525 = arith.constant 0 : i32
        %dma_start3A_526 = arith.constant 0 : i32
        %dma_start3A_527 = tpu.memref_slice %arg7[%run_scoped3A_249, %dma_start3A_525, %dma_start3A_526] : memref<3x200x128xf32, #tpu.memory_space<vmem>> -> memref<1x200x128xf32, #tpu.memory_space<vmem>>
        %dma_start3A_528 = tpu.memref_squeeze %dma_start3A_527 : memref<1x200x128xf32, #tpu.memory_space<vmem>> -> memref<200x128xf32, #tpu.memory_space<vmem>>
        tpu.enqueue_dma source(%arg8 : memref<200x128xf32, #tpu.memory_space<vmem_shared>>) target(%dma_start3A_528 : memref<200x128xf32, #tpu.memory_space<vmem>>) target_semaphore(%run_scoped3A_520 : memref<!tpu.dma_semaphore, #tpu.memory_space<semaphore_mem>>)
        %dma_wait3A_529 = arith.constant 0 : i32
        %dma_wait3A_530 = arith.constant 0 : i32
        %dma_wait3A_531 = tpu.memref_slice %arg7[%run_scoped3A_249, %dma_wait3A_529, %dma_wait3A_530] : memref<3x200x128xf32, #tpu.memory_space<vmem>> -> memref<1x200x128xf32, #tpu.memory_space<vmem>>
        %dma_wait3A_532 = tpu.memref_squeeze %dma_wait3A_531 : memref<1x200x128xf32, #tpu.memory_space<vmem>> -> memref<200x128xf32, #tpu.memory_space<vmem>>
        %dma_wait3A_533 = arith.constant 0 : i32
        %dma_wait3A_534 = arith.constant 0 : i32
        %dma_wait3A_535 = tpu.memref_slice %arg7[%run_scoped3A_249, %dma_wait3A_533, %dma_wait3A_534] : memref<3x200x128xf32, #tpu.memory_space<vmem>> -> memref<1x200x128xf32, #tpu.memory_space<vmem>>
        %dma_wait3A_536 = tpu.memref_squeeze %dma_wait3A_535 : memref<1x200x128xf32, #tpu.memory_space<vmem>> -> memref<200x128xf32, #tpu.memory_space<vmem>>
        tpu.wait_dma2 semaphore(%run_scoped3A_520 : memref<!tpu.dma_semaphore, #tpu.memory_space<semaphore_mem>>) src(%arg8 : memref<200x128xf32, #tpu.memory_space<vmem_shared>>) dst(%dma_wait3A_536 : memref<200x128xf32, #tpu.memory_space<vmem>>)
        tpu.yield
      }) : () -> ()
      %dma_start3A_250 = arith.constant 0 : i32
      %dma_start3A_251 = arith.constant 0 : i32
      %dma_start3A_252 = arith.constant 0 : i32
      %dma_start3A_253 = tpu.memref_slice %arg7[%dma_start3A_250, %dma_start3A_251, %dma_start3A_252] : memref<3x200x128xf32, #tpu.memory_space<vmem>> -> memref<1x200x128xf32, #tpu.memory_space<vmem>>
      %dma_start3A_254 = tpu.memref_squeeze %dma_start3A_253 : memref<1x200x128xf32, #tpu.memory_space<vmem>> -> memref<200x128xf32, #tpu.memory_space<vmem>>
      %dma_start3A_255 = arith.constant 0 : i32
      %dma_start3A_256 = arith.constant 0 : i32
      %dma_start3A_257 = tpu.memref_slice %dma_start3A_254[%dma_start3A_255, %dma_start3A_256] : memref<200x128xf32, #tpu.memory_space<vmem>> -> memref<100x128xf32, #tpu.memory_space<vmem>>
      %dma_start3A_258 = arith.constant 0 : i32
      %dma_start3A_259 = tpu.memref_slice %arg6[%mul3A_248, %dma_start3A_258] : memref<256x100xi32, #tpu.memory_space<vmem>> -> memref<1x100xi32, #tpu.memory_space<vmem>>
      %dma_start3A_260 = tpu.memref_squeeze %dma_start3A_259 : memref<1x100xi32, #tpu.memory_space<vmem>> -> memref<100xi32, #tpu.memory_space<vmem>>
      %dma_start3A_261 = arith.constant 0 : i32
      %dma_start3A_262 = arith.constant 0 : i32
      %dma_start3A_263 = tpu.memref_slice %arg3[%dma_start3A_261, %dma_start3A_262] : memref<100000x128xf32, #tpu.memory_space<hbm>> -> memref<100000x128xf32, #tpu.memory_space<hbm>>
      tpu.enqueue_indirect_dma source(%dma_start3A_263 : memref<100000x128xf32, #tpu.memory_space<hbm>>) target(%dma_start3A_257 : memref<100x128xf32, #tpu.memory_space<vmem>>) offsets(%dma_start3A_260 : memref<100xi32, #tpu.memory_space<vmem>>) semaphore(%arg9 : memref<!tpu.dma_semaphore, #tpu.memory_space<semaphore_mem>>) {add = true}
      %add3A_264 = arith.constant 1 : i32
      %add3A_265 = arith.addi %mul3A_248, %add3A_264 : i32
      %dma_start3A_266 = arith.constant 0 : i32
      %dma_start3A_267 = arith.constant 0 : i32
      %dma_start3A_268 = arith.constant 0 : i32
      %dma_start3A_269 = tpu.memref_slice %arg7[%dma_start3A_266, %dma_start3A_267, %dma_start3A_268] : memref<3x200x128xf32, #tpu.memory_space<vmem>> -> memref<1x200x128xf32, #tpu.memory_space<vmem>>
      %dma_start3A_270 = tpu.memref_squeeze %dma_start3A_269 : memref<1x200x128xf32, #tpu.memory_space<vmem>> -> memref<200x128xf32, #tpu.memory_space<vmem>>
      %dma_start3A_271 = arith.constant 100 : i32
      %dma_start3A_272 = arith.constant 0 : i32
      %dma_start3A_273 = tpu.memref_slice %dma_start3A_270[%dma_start3A_271, %dma_start3A_272] : memref<200x128xf32, #tpu.memory_space<vmem>> -> memref<100x128xf32, #tpu.memory_space<vmem>>
      %dma_start3A_274 = arith.constant 0 : i32
      %dma_start3A_275 = tpu.memref_slice %arg6[%add3A_265, %dma_start3A_274] : memref<256x100xi32, #tpu.memory_space<vmem>> -> memref<1x100xi32, #tpu.memory_space<vmem>>
      %dma_start3A_276 = tpu.memref_squeeze %dma_start3A_275 : memref<1x100xi32, #tpu.memory_space<vmem>> -> memref<100xi32, #tpu.memory_space<vmem>>
      %dma_start3A_277 = arith.constant 0 : i32
      %dma_start3A_278 = arith.constant 0 : i32
      %dma_start3A_279 = tpu.memref_slice %arg3[%dma_start3A_277, %dma_start3A_278] : memref<100000x128xf32, #tpu.memory_space<hbm>> -> memref<100000x128xf32, #tpu.memory_space<hbm>>
      tpu.enqueue_indirect_dma source(%dma_start3A_279 : memref<100000x128xf32, #tpu.memory_space<hbm>>) target(%dma_start3A_273 : memref<100x128xf32, #tpu.memory_space<vmem>>) offsets(%dma_start3A_276 : memref<100xi32, #tpu.memory_space<vmem>>) semaphore(%arg9 : memref<!tpu.dma_semaphore, #tpu.memory_space<semaphore_mem>>) {add = true}
      %gt3A_280 = arith.constant 0 : i32
      %gt3A_281 = arith.cmpi sgt, %scan3A_238, %gt3A_280 : i32
      %convert_element_type3A_282 = arith.extui %gt3A_281 : i1 to i32
      %cond3A_283 = arith.constant 0 : i32
      %cond3A_284 = arith.cmpi ne, %convert_element_type3A_282, %cond3A_283 : i32
      scf.if %cond3A_284 {
        %mul3A_520 = arith.constant 25600 : i32
        %mul3A_521 = arith.muli %add3A, %mul3A_520 : i32
        %dma_wait3A_522 = arith.constant 1 : i32
        %dma_wait3A_523 = arith.constant 0 : i32
        %dma_wait3A_524 = arith.constant 0 : i32
        %dma_wait3A_525 = tpu.memref_slice %arg7[%dma_wait3A_522, %dma_wait3A_523, %dma_wait3A_524] : memref<3x200x128xf32, #tpu.memory_space<vmem>> -> memref<1x200x128xf32, #tpu.memory_space<vmem>>
        %dma_wait3A_526 = tpu.memref_squeeze %dma_wait3A_525 : memref<1x200x128xf32, #tpu.memory_space<vmem>> -> memref<200x128xf32, #tpu.memory_space<vmem>>
        %dma_wait3A_527 = arith.constant 0 : i32
        %dma_wait3A_528 = tpu.memref_slice %arg5[%mul3A_521, %dma_wait3A_527] : memref<819200x128xf32, #tpu.memory_space<hbm>> -> memref<200x128xf32, #tpu.memory_space<hbm>>
        %dma_wait3A_529 = arith.constant 0 : i32
        %dma_wait3A_530 = tpu.memref_slice %arg5[%mul3A_521, %dma_wait3A_529] : memref<819200x128xf32, #tpu.memory_space<hbm>> -> memref<200x128xf32, #tpu.memory_space<hbm>>
        %dma_wait3A_531 = arith.constant 0 : i32
        %dma_wait3A_532 = arith.constant 0 : i32
        %dma_wait3A_533 = tpu.memref_slice %arg7[%dma_wait3A_522, %dma_wait3A_531, %dma_wait3A_532] : memref<3x200x128xf32, #tpu.memory_space<vmem>> -> memref<1x200x128xf32, #tpu.memory_space<vmem>>
        %dma_wait3A_534 = tpu.memref_squeeze %dma_wait3A_533 : memref<1x200x128xf32, #tpu.memory_space<vmem>> -> memref<200x128xf32, #tpu.memory_space<vmem>>
        tpu.wait_dma2 semaphore(%arg13 : memref<!tpu.dma_semaphore, #tpu.memory_space<semaphore_mem>>) src(%dma_wait3A_534 : memref<200x128xf32, #tpu.memory_space<vmem>>) dst(%dma_wait3A_530 : memref<200x128xf32, #tpu.memory_space<hbm>>)
      } else {
      }
      %mul3A_285 = arith.constant 3 : i32
      %mul3A_286 = arith.muli %scan3A_238, %mul3A_285 : i32
      %add3A_287 = arith.constant 1 : i32
      %add3A_288 = arith.addi %mul3A_286, %add3A_287 : i32
      %mul3A_289 = arith.constant 2 : i32
      %mul3A_290 = arith.muli %add3A_288, %mul3A_289 : i32
      %run_scoped3A_291 = arith.constant 1 : i32
      "tpu.region"() ({
        %run_scoped3A_520 = tpu.sem_alloc : memref<!tpu.dma_semaphore, #tpu.memory_space<semaphore_mem>>
        %dma_start3A_521 = arith.constant 0 : i32
        %dma_start3A_522 = arith.constant 0 : i32
        %dma_start3A_523 = tpu.memref_slice %arg7[%run_scoped3A_291, %dma_start3A_521, %dma_start3A_522] : memref<3x200x128xf32, #tpu.memory_space<vmem>> -> memref<1x200x128xf32, #tpu.memory_space<vmem>>
        %dma_start3A_524 = tpu.memref_squeeze %dma_start3A_523 : memref<1x200x128xf32, #tpu.memory_space<vmem>> -> memref<200x128xf32, #tpu.memory_space<vmem>>
        %dma_start3A_525 = arith.constant 0 : i32
        %dma_start3A_526 = arith.constant 0 : i32
        %dma_start3A_527 = tpu.memref_slice %arg7[%run_scoped3A_291, %dma_start3A_525, %dma_start3A_526] : memref<3x200x128xf32, #tpu.memory_space<vmem>> -> memref<1x200x128xf32, #tpu.memory_space<vmem>>
        %dma_start3A_528 = tpu.memref_squeeze %dma_start3A_527 : memref<1x200x128xf32, #tpu.memory_space<vmem>> -> memref<200x128xf32, #tpu.memory_space<vmem>>
        tpu.enqueue_dma source(%arg8 : memref<200x128xf32, #tpu.memory_space<vmem_shared>>) target(%dma_start3A_528 : memref<200x128xf32, #tpu.memory_space<vmem>>) target_semaphore(%run_scoped3A_520 : memref<!tpu.dma_semaphore, #tpu.memory_space<semaphore_mem>>)
        %dma_wait3A_529 = arith.constant 0 : i32
        %dma_wait3A_530 = arith.constant 0 : i32
        %dma_wait3A_531 = tpu.memref_slice %arg7[%run_scoped3A_291, %dma_wait3A_529, %dma_wait3A_530] : memref<3x200x128xf32, #tpu.memory_space<vmem>> -> memref<1x200x128xf32, #tpu.memory_space<vmem>>
        %dma_wait3A_532 = tpu.memref_squeeze %dma_wait3A_531 : memref<1x200x128xf32, #tpu.memory_space<vmem>> -> memref<200x128xf32, #tpu.memory_space<vmem>>
        %dma_wait3A_533 = arith.constant 0 : i32
        %dma_wait3A_534 = arith.constant 0 : i32
        %dma_wait3A_535 = tpu.memref_slice %arg7[%run_scoped3A_291, %dma_wait3A_533, %dma_wait3A_534] : memref<3x200x128xf32, #tpu.memory_space<vmem>> -> memref<1x200x128xf32, #tpu.memory_space<vmem>>
        %dma_wait3A_536 = tpu.memref_squeeze %dma_wait3A_535 : memref<1x200x128xf32, #tpu.memory_space<vmem>> -> memref<200x128xf32, #tpu.memory_space<vmem>>
        tpu.wait_dma2 semaphore(%run_scoped3A_520 : memref<!tpu.dma_semaphore, #tpu.memory_space<semaphore_mem>>) src(%arg8 : memref<200x128xf32, #tpu.memory_space<vmem_shared>>) dst(%dma_wait3A_536 : memref<200x128xf32, #tpu.memory_space<vmem>>)
        tpu.yield
      }) : () -> ()
      %dma_start3A_292 = arith.constant 1 : i32
      %dma_start3A_293 = arith.constant 0 : i32
      %dma_start3A_294 = arith.constant 0 : i32
      %dma_start3A_295 = tpu.memref_slice %arg7[%dma_start3A_292, %dma_start3A_293, %dma_start3A_294] : memref<3x200x128xf32, #tpu.memory_space<vmem>> -> memref<1x200x128xf32, #tpu.memory_space<vmem>>
      %dma_start3A_296 = tpu.memref_squeeze %dma_start3A_295 : memref<1x200x128xf32, #tpu.memory_space<vmem>> -> memref<200x128xf32, #tpu.memory_space<vmem>>
      %dma_start3A_297 = arith.constant 0 : i32
      %dma_start3A_298 = arith.constant 0 : i32
      %dma_start3A_299 = tpu.memref_slice %dma_start3A_296[%dma_start3A_297, %dma_start3A_298] : memref<200x128xf32, #tpu.memory_space<vmem>> -> memref<100x128xf32, #tpu.memory_space<vmem>>
      %dma_start3A_300 = arith.constant 0 : i32
      %dma_start3A_301 = tpu.memref_slice %arg6[%mul3A_290, %dma_start3A_300] : memref<256x100xi32, #tpu.memory_space<vmem>> -> memref<1x100xi32, #tpu.memory_space<vmem>>
      %dma_start3A_302 = tpu.memref_squeeze %dma_start3A_301 : memref<1x100xi32, #tpu.memory_space<vmem>> -> memref<100xi32, #tpu.memory_space<vmem>>
      %dma_start3A_303 = arith.constant 0 : i32
      %dma_start3A_304 = arith.constant 0 : i32
      %dma_start3A_305 = tpu.memref_slice %arg3[%dma_start3A_303, %dma_start3A_304] : memref<100000x128xf32, #tpu.memory_space<hbm>> -> memref<100000x128xf32, #tpu.memory_space<hbm>>
      tpu.enqueue_indirect_dma source(%dma_start3A_305 : memref<100000x128xf32, #tpu.memory_space<hbm>>) target(%dma_start3A_299 : memref<100x128xf32, #tpu.memory_space<vmem>>) offsets(%dma_start3A_302 : memref<100xi32, #tpu.memory_space<vmem>>) semaphore(%arg10 : memref<!tpu.dma_semaphore, #tpu.memory_space<semaphore_mem>>) {add = true}
      %add3A_306 = arith.constant 1 : i32
      %add3A_307 = arith.addi %mul3A_290, %add3A_306 : i32
      %dma_start3A_308 = arith.constant 1 : i32
      %dma_start3A_309 = arith.constant 0 : i32
      %dma_start3A_310 = arith.constant 0 : i32
      %dma_start3A_311 = tpu.memref_slice %arg7[%dma_start3A_308, %dma_start3A_309, %dma_start3A_310] : memref<3x200x128xf32, #tpu.memory_space<vmem>> -> memref<1x200x128xf32, #tpu.memory_space<vmem>>
      %dma_start3A_312 = tpu.memref_squeeze %dma_start3A_311 : memref<1x200x128xf32, #tpu.memory_space<vmem>> -> memref<200x128xf32, #tpu.memory_space<vmem>>
      %dma_start3A_313 = arith.constant 100 : i32
      %dma_start3A_314 = arith.constant 0 : i32
      %dma_start3A_315 = tpu.memref_slice %dma_start3A_312[%dma_start3A_313, %dma_start3A_314] : memref<200x128xf32, #tpu.memory_space<vmem>> -> memref<100x128xf32, #tpu.memory_space<vmem>>
      %dma_start3A_316 = arith.constant 0 : i32
      %dma_start3A_317 = tpu.memref_slice %arg6[%add3A_307, %dma_start3A_316] : memref<256x100xi32, #tpu.memory_space<vmem>> -> memref<1x100xi32, #tpu.memory_space<vmem>>
      %dma_start3A_318 = tpu.memref_squeeze %dma_start3A_317 : memref<1x100xi32, #tpu.memory_space<vmem>> -> memref<100xi32, #tpu.memory_space<vmem>>
      %dma_start3A_319 = arith.constant 0 : i32
      %dma_start3A_320 = arith.constant 0 : i32
      %dma_start3A_321 = tpu.memref_slice %arg3[%dma_start3A_319, %dma_start3A_320] : memref<100000x128xf32, #tpu.memory_space<hbm>> -> memref<100000x128xf32, #tpu.memory_space<hbm>>
      tpu.enqueue_indirect_dma source(%dma_start3A_321 : memref<100000x128xf32, #tpu.memory_space<hbm>>) target(%dma_start3A_315 : memref<100x128xf32, #tpu.memory_space<vmem>>) offsets(%dma_start3A_318 : memref<100xi32, #tpu.memory_space<vmem>>) semaphore(%arg10 : memref<!tpu.dma_semaphore, #tpu.memory_space<semaphore_mem>>) {add = true}
      %gt3A_322 = arith.constant 0 : i32
      %gt3A_323 = arith.cmpi sgt, %scan3A_238, %gt3A_322 : i32
      %convert_element_type3A_324 = arith.extui %gt3A_323 : i1 to i32
      %cond3A_325 = arith.constant 0 : i32
      %cond3A_326 = arith.cmpi ne, %convert_element_type3A_324, %cond3A_325 : i32
      scf.if %cond3A_326 {
        %mul3A_520 = arith.constant 25600 : i32
        %mul3A_521 = arith.muli %add3A, %mul3A_520 : i32
        %dma_wait3A_522 = arith.constant 2 : i32
        %dma_wait3A_523 = arith.constant 0 : i32
        %dma_wait3A_524 = arith.constant 0 : i32
        %dma_wait3A_525 = tpu.memref_slice %arg7[%dma_wait3A_522, %dma_wait3A_523, %dma_wait3A_524] : memref<3x200x128xf32, #tpu.memory_space<vmem>> -> memref<1x200x128xf32, #tpu.memory_space<vmem>>
        %dma_wait3A_526 = tpu.memref_squeeze %dma_wait3A_525 : memref<1x200x128xf32, #tpu.memory_space<vmem>> -> memref<200x128xf32, #tpu.memory_space<vmem>>
        %dma_wait3A_527 = arith.constant 0 : i32
        %dma_wait3A_528 = tpu.memref_slice %arg5[%mul3A_521, %dma_wait3A_527] : memref<819200x128xf32, #tpu.memory_space<hbm>> -> memref<200x128xf32, #tpu.memory_space<hbm>>
        %dma_wait3A_529 = arith.constant 0 : i32
        %dma_wait3A_530 = tpu.memref_slice %arg5[%mul3A_521, %dma_wait3A_529] : memref<819200x128xf32, #tpu.memory_space<hbm>> -> memref<200x128xf32, #tpu.memory_space<hbm>>
        %dma_wait3A_531 = arith.constant 0 : i32
        %dma_wait3A_532 = arith.constant 0 : i32
        %dma_wait3A_533 = tpu.memref_slice %arg7[%dma_wait3A_522, %dma_wait3A_531, %dma_wait3A_532] : memref<3x200x128xf32, #tpu.memory_space<vmem>> -> memref<1x200x128xf32, #tpu.memory_space<vmem>>
        %dma_wait3A_534 = tpu.memref_squeeze %dma_wait3A_533 : memref<1x200x128xf32, #tpu.memory_space<vmem>> -> memref<200x128xf32, #tpu.memory_space<vmem>>
        tpu.wait_dma2 semaphore(%arg14 : memref<!tpu.dma_semaphore, #tpu.memory_space<semaphore_mem>>) src(%dma_wait3A_534 : memref<200x128xf32, #tpu.memory_space<vmem>>) dst(%dma_wait3A_530 : memref<200x128xf32, #tpu.memory_space<hbm>>)
      } else {
      }
      %mul3A_327 = arith.constant 3 : i32
      %mul3A_328 = arith.muli %scan3A_238, %mul3A_327 : i32
      %add3A_329 = arith.constant 2 : i32
      %add3A_330 = arith.addi %mul3A_328, %add3A_329 : i32
      %mul3A_331 = arith.constant 2 : i32
      %mul3A_332 = arith.muli %add3A_330, %mul3A_331 : i32
      %run_scoped3A_333 = arith.constant 2 : i32
      "tpu.region"() ({
        %run_scoped3A_520 = tpu.sem_alloc : memref<!tpu.dma_semaphore, #tpu.memory_space<semaphore_mem>>
        %dma_start3A_521 = arith.constant 0 : i32
        %dma_start3A_522 = arith.constant 0 : i32
        %dma_start3A_523 = tpu.memref_slice %arg7[%run_scoped3A_333, %dma_start3A_521, %dma_start3A_522] : memref<3x200x128xf32, #tpu.memory_space<vmem>> -> memref<1x200x128xf32, #tpu.memory_space<vmem>>
        %dma_start3A_524 = tpu.memref_squeeze %dma_start3A_523 : memref<1x200x128xf32, #tpu.memory_space<vmem>> -> memref<200x128xf32, #tpu.memory_space<vmem>>
        %dma_start3A_525 = arith.constant 0 : i32
        %dma_start3A_526 = arith.constant 0 : i32
        %dma_start3A_527 = tpu.memref_slice %arg7[%run_scoped3A_333, %dma_start3A_525, %dma_start3A_526] : memref<3x200x128xf32, #tpu.memory_space<vmem>> -> memref<1x200x128xf32, #tpu.memory_space<vmem>>
        %dma_start3A_528 = tpu.memref_squeeze %dma_start3A_527 : memref<1x200x128xf32, #tpu.memory_space<vmem>> -> memref<200x128xf32, #tpu.memory_space<vmem>>
        tpu.enqueue_dma source(%arg8 : memref<200x128xf32, #tpu.memory_space<vmem_shared>>) target(%dma_start3A_528 : memref<200x128xf32, #tpu.memory_space<vmem>>) target_semaphore(%run_scoped3A_520 : memref<!tpu.dma_semaphore, #tpu.memory_space<semaphore_mem>>)
        %dma_wait3A_529 = arith.constant 0 : i32
        %dma_wait3A_530 = arith.constant 0 : i32
        %dma_wait3A_531 = tpu.memref_slice %arg7[%run_scoped3A_333, %dma_wait3A_529, %dma_wait3A_530] : memref<3x200x128xf32, #tpu.memory_space<vmem>> -> memref<1x200x128xf32, #tpu.memory_space<vmem>>
        %dma_wait3A_532 = tpu.memref_squeeze %dma_wait3A_531 : memref<1x200x128xf32, #tpu.memory_space<vmem>> -> memref<200x128xf32, #tpu.memory_space<vmem>>
        %dma_wait3A_533 = arith.constant 0 : i32
        %dma_wait3A_534 = arith.constant 0 : i32
        %dma_wait3A_535 = tpu.memref_slice %arg7[%run_scoped3A_333, %dma_wait3A_533, %dma_wait3A_534] : memref<3x200x128xf32, #tpu.memory_space<vmem>> -> memref<1x200x128xf32, #tpu.memory_space<vmem>>
        %dma_wait3A_536 = tpu.memref_squeeze %dma_wait3A_535 : memref<1x200x128xf32, #tpu.memory_space<vmem>> -> memref<200x128xf32, #tpu.memory_space<vmem>>
        tpu.wait_dma2 semaphore(%run_scoped3A_520 : memref<!tpu.dma_semaphore, #tpu.memory_space<semaphore_mem>>) src(%arg8 : memref<200x128xf32, #tpu.memory_space<vmem_shared>>) dst(%dma_wait3A_536 : memref<200x128xf32, #tpu.memory_space<vmem>>)
        tpu.yield
      }) : () -> ()
      %dma_start3A_334 = arith.constant 2 : i32
      %dma_start3A_335 = arith.constant 0 : i32
      %dma_start3A_336 = arith.constant 0 : i32
      %dma_start3A_337 = tpu.memref_slice %arg7[%dma_start3A_334, %dma_start3A_335, %dma_start3A_336] : memref<3x200x128xf32, #tpu.memory_space<vmem>> -> memref<1x200x128xf32, #tpu.memory_space<vmem>>
      %dma_start3A_338 = tpu.memref_squeeze %dma_start3A_337 : memref<1x200x128xf32, #tpu.memory_space<vmem>> -> memref<200x128xf32, #tpu.memory_space<vmem>>
      %dma_start3A_339 = arith.constant 0 : i32
      %dma_start3A_340 = arith.constant 0 : i32
      %dma_start3A_341 = tpu.memref_slice %dma_start3A_338[%dma_start3A_339, %dma_start3A_340] : memref<200x128xf32, #tpu.memory_space<vmem>> -> memref<100x128xf32, #tpu.memory_space<vmem>>
      %dma_start3A_342 = arith.constant 0 : i32
      %dma_start3A_343 = tpu.memref_slice %arg6[%mul3A_332, %dma_start3A_342] : memref<256x100xi32, #tpu.memory_space<vmem>> -> memref<1x100xi32, #tpu.memory_space<vmem>>
      %dma_start3A_344 = tpu.memref_squeeze %dma_start3A_343 : memref<1x100xi32, #tpu.memory_space<vmem>> -> memref<100xi32, #tpu.memory_space<vmem>>
      %dma_start3A_345 = arith.constant 0 : i32
      %dma_start3A_346 = arith.constant 0 : i32
      %dma_start3A_347 = tpu.memref_slice %arg3[%dma_start3A_345, %dma_start3A_346] : memref<100000x128xf32, #tpu.memory_space<hbm>> -> memref<100000x128xf32, #tpu.memory_space<hbm>>
      tpu.enqueue_indirect_dma source(%dma_start3A_347 : memref<100000x128xf32, #tpu.memory_space<hbm>>) target(%dma_start3A_341 : memref<100x128xf32, #tpu.memory_space<vmem>>) offsets(%dma_start3A_344 : memref<100xi32, #tpu.memory_space<vmem>>) semaphore(%arg11 : memref<!tpu.dma_semaphore, #tpu.memory_space<semaphore_mem>>) {add = true}
      %add3A_348 = arith.constant 1 : i32
      %add3A_349 = arith.addi %mul3A_332, %add3A_348 : i32
      %dma_start3A_350 = arith.constant 2 : i32
      %dma_start3A_351 = arith.constant 0 : i32
      %dma_start3A_352 = arith.constant 0 : i32
      %dma_start3A_353 = tpu.memref_slice %arg7[%dma_start3A_350, %dma_start3A_351, %dma_start3A_352] : memref<3x200x128xf32, #tpu.memory_space<vmem>> -> memref<1x200x128xf32, #tpu.memory_space<vmem>>
      %dma_start3A_354 = tpu.memref_squeeze %dma_start3A_353 : memref<1x200x128xf32, #tpu.memory_space<vmem>> -> memref<200x128xf32, #tpu.memory_space<vmem>>
      %dma_start3A_355 = arith.constant 100 : i32
      %dma_start3A_356 = arith.constant 0 : i32
      %dma_start3A_357 = tpu.memref_slice %dma_start3A_354[%dma_start3A_355, %dma_start3A_356] : memref<200x128xf32, #tpu.memory_space<vmem>> -> memref<100x128xf32, #tpu.memory_space<vmem>>
      %dma_start3A_358 = arith.constant 0 : i32
      %dma_start3A_359 = tpu.memref_slice %arg6[%add3A_349, %dma_start3A_358] : memref<256x100xi32, #tpu.memory_space<vmem>> -> memref<1x100xi32, #tpu.memory_space<vmem>>
      %dma_start3A_360 = tpu.memref_squeeze %dma_start3A_359 : memref<1x100xi32, #tpu.memory_space<vmem>> -> memref<100xi32, #tpu.memory_space<vmem>>
      %dma_start3A_361 = arith.constant 0 : i32
      %dma_start3A_362 = arith.constant 0 : i32
      %dma_start3A_363 = tpu.memref_slice %arg3[%dma_start3A_361, %dma_start3A_362] : memref<100000x128xf32, #tpu.memory_space<hbm>> -> memref<100000x128xf32, #tpu.memory_space<hbm>>
      tpu.enqueue_indirect_dma source(%dma_start3A_363 : memref<100000x128xf32, #tpu.memory_space<hbm>>) target(%dma_start3A_357 : memref<100x128xf32, #tpu.memory_space<vmem>>) offsets(%dma_start3A_360 : memref<100xi32, #tpu.memory_space<vmem>>) semaphore(%arg11 : memref<!tpu.dma_semaphore, #tpu.memory_space<semaphore_mem>>) {add = true}
      %mul3A_364 = arith.constant 3 : i32
      %mul3A_365 = arith.muli %scan3A_238, %mul3A_364 : i32
      %add3A_366 = arith.constant 0 : i32
      %add3A_367 = arith.addi %mul3A_365, %add3A_366 : i32
      %dma_wait3A_368 = arith.constant 0 : i32
      %dma_wait3A_369 = arith.constant 0 : i32
      %dma_wait3A_370 = arith.constant 0 : i32
      %dma_wait3A_371 = arith.constant 0 : i32
      %dma_wait3A_372 = tpu.memref_slice %arg7[%dma_wait3A_369, %dma_wait3A_370, %dma_wait3A_371] : memref<3x200x128xf32, #tpu.memory_space<vmem>> -> memref<1x200x128xf32, #tpu.memory_space<vmem>>
      %dma_wait3A_373 = tpu.memref_squeeze %dma_wait3A_372 : memref<1x200x128xf32, #tpu.memory_space<vmem>> -> memref<200x128xf32, #tpu.memory_space<vmem>>
      %dma_wait3A_374 = arith.constant 0 : i32
      %dma_wait3A_375 = arith.constant 0 : i32
      %dma_wait3A_376 = tpu.memref_slice %dma_wait3A_373[%dma_wait3A_374, %dma_wait3A_375] : memref<200x128xf32, #tpu.memory_space<vmem>> -> memref<100x128xf32, #tpu.memory_space<vmem>>
      %dma_wait3A_377 = arith.constant 0 : i32
      %dma_wait3A_378 = tpu.memref_slice %arg6[%dma_wait3A_368, %dma_wait3A_377] : memref<256x100xi32, #tpu.memory_space<vmem>> -> memref<1x100xi32, #tpu.memory_space<vmem>>
      %dma_wait3A_379 = tpu.memref_squeeze %dma_wait3A_378 : memref<1x100xi32, #tpu.memory_space<vmem>> -> memref<100xi32, #tpu.memory_space<vmem>>
      %dma_wait3A_380 = arith.constant 0 : i32
      %dma_wait3A_381 = arith.constant 0 : i32
      %dma_wait3A_382 = tpu.memref_slice %arg3[%dma_wait3A_380, %dma_wait3A_381] : memref<100000x128xf32, #tpu.memory_space<hbm>> -> memref<100000x128xf32, #tpu.memory_space<hbm>>
      tpu.wait_indirect_dma semaphore(%arg9 : memref<!tpu.dma_semaphore, #tpu.memory_space<semaphore_mem>>) src(%dma_wait3A_382 : memref<100000x128xf32, #tpu.memory_space<hbm>>) dst(%dma_wait3A_376 : memref<100x128xf32, #tpu.memory_space<vmem>>)
      %dma_wait3A_383 = arith.constant 0 : i32
      %dma_wait3A_384 = arith.constant 0 : i32
      %dma_wait3A_385 = arith.constant 0 : i32
      %dma_wait3A_386 = arith.constant 0 : i32
      %dma_wait3A_387 = tpu.memref_slice %arg7[%dma_wait3A_384, %dma_wait3A_385, %dma_wait3A_386] : memref<3x200x128xf32, #tpu.memory_space<vmem>> -> memref<1x200x128xf32, #tpu.memory_space<vmem>>
      %dma_wait3A_388 = tpu.memref_squeeze %dma_wait3A_387 : memref<1x200x128xf32, #tpu.memory_space<vmem>> -> memref<200x128xf32, #tpu.memory_space<vmem>>
      %dma_wait3A_389 = arith.constant 100 : i32
      %dma_wait3A_390 = arith.constant 0 : i32
      %dma_wait3A_391 = tpu.memref_slice %dma_wait3A_388[%dma_wait3A_389, %dma_wait3A_390] : memref<200x128xf32, #tpu.memory_space<vmem>> -> memref<100x128xf32, #tpu.memory_space<vmem>>
      %dma_wait3A_392 = arith.constant 0 : i32
      %dma_wait3A_393 = tpu.memref_slice %arg6[%dma_wait3A_383, %dma_wait3A_392] : memref<256x100xi32, #tpu.memory_space<vmem>> -> memref<1x100xi32, #tpu.memory_space<vmem>>
      %dma_wait3A_394 = tpu.memref_squeeze %dma_wait3A_393 : memref<1x100xi32, #tpu.memory_space<vmem>> -> memref<100xi32, #tpu.memory_space<vmem>>
      %dma_wait3A_395 = arith.constant 0 : i32
      %dma_wait3A_396 = arith.constant 0 : i32
      %dma_wait3A_397 = tpu.memref_slice %arg3[%dma_wait3A_395, %dma_wait3A_396] : memref<100000x128xf32, #tpu.memory_space<hbm>> -> memref<100000x128xf32, #tpu.memory_space<hbm>>
      tpu.wait_indirect_dma semaphore(%arg9 : memref<!tpu.dma_semaphore, #tpu.memory_space<semaphore_mem>>) src(%dma_wait3A_397 : memref<100000x128xf32, #tpu.memory_space<hbm>>) dst(%dma_wait3A_391 : memref<100x128xf32, #tpu.memory_space<vmem>>)
      %mul3A_398 = arith.constant 25600 : i32
      %mul3A_399 = arith.muli %add3A, %mul3A_398 : i32
      %mul3A_400 = arith.constant 200 : i32
      %mul3A_401 = arith.muli %add3A_367, %mul3A_400 : i32
      %add3A_402 = arith.addi %mul3A_399, %mul3A_401 : i32
      %dma_start3A_403 = arith.constant 0 : i32
      %dma_start3A_404 = arith.constant 0 : i32
      %dma_start3A_405 = arith.constant 0 : i32
      %dma_start3A_406 = tpu.memref_slice %arg7[%dma_start3A_403, %dma_start3A_404, %dma_start3A_405] : memref<3x200x128xf32, #tpu.memory_space<vmem>> -> memref<1x200x128xf32, #tpu.memory_space<vmem>>
      %dma_start3A_407 = tpu.memref_squeeze %dma_start3A_406 : memref<1x200x128xf32, #tpu.memory_space<vmem>> -> memref<200x128xf32, #tpu.memory_space<vmem>>
      %dma_start3A_408 = arith.constant 0 : i32
      %dma_start3A_409 = tpu.memref_slice %arg5[%add3A_402, %dma_start3A_408] : memref<819200x128xf32, #tpu.memory_space<hbm>> -> memref<200x128xf32, #tpu.memory_space<hbm>>
      %dma_start3A_410 = arith.constant 0 : i32
      %dma_start3A_411 = tpu.memref_slice %arg5[%add3A_402, %dma_start3A_410] : memref<819200x128xf32, #tpu.memory_space<hbm>> -> memref<200x128xf32, #tpu.memory_space<hbm>>
      %dma_start3A_412 = arith.constant 0 : i32
      %dma_start3A_413 = arith.constant 0 : i32
      %dma_start3A_414 = tpu.memref_slice %arg7[%dma_start3A_403, %dma_start3A_412, %dma_start3A_413] : memref<3x200x128xf32, #tpu.memory_space<vmem>> -> memref<1x200x128xf32, #tpu.memory_space<vmem>>
      %dma_start3A_415 = tpu.memref_squeeze %dma_start3A_414 : memref<1x200x128xf32, #tpu.memory_space<vmem>> -> memref<200x128xf32, #tpu.memory_space<vmem>>
      tpu.enqueue_dma source(%dma_start3A_415 : memref<200x128xf32, #tpu.memory_space<vmem>>) target(%dma_start3A_411 : memref<200x128xf32, #tpu.memory_space<hbm>>) target_semaphore(%arg12 : memref<!tpu.dma_semaphore, #tpu.memory_space<semaphore_mem>>)
      %mul3A_416 = arith.constant 3 : i32
      %mul3A_417 = arith.muli %scan3A_238, %mul3A_416 : i32
      %add3A_418 = arith.constant 1 : i32
      %add3A_419 = arith.addi %mul3A_417, %add3A_418 : i32
      %dma_wait3A_420 = arith.constant 0 : i32
      %dma_wait3A_421 = arith.constant 1 : i32
      %dma_wait3A_422 = arith.constant 0 : i32
      %dma_wait3A_423 = arith.constant 0 : i32
      %dma_wait3A_424 = tpu.memref_slice %arg7[%dma_wait3A_421, %dma_wait3A_422, %dma_wait3A_423] : memref<3x200x128xf32, #tpu.memory_space<vmem>> -> memref<1x200x128xf32, #tpu.memory_space<vmem>>
      %dma_wait3A_425 = tpu.memref_squeeze %dma_wait3A_424 : memref<1x200x128xf32, #tpu.memory_space<vmem>> -> memref<200x128xf32, #tpu.memory_space<vmem>>
      %dma_wait3A_426 = arith.constant 0 : i32
      %dma_wait3A_427 = arith.constant 0 : i32
      %dma_wait3A_428 = tpu.memref_slice %dma_wait3A_425[%dma_wait3A_426, %dma_wait3A_427] : memref<200x128xf32, #tpu.memory_space<vmem>> -> memref<100x128xf32, #tpu.memory_space<vmem>>
      %dma_wait3A_429 = arith.constant 0 : i32
      %dma_wait3A_430 = tpu.memref_slice %arg6[%dma_wait3A_420, %dma_wait3A_429] : memref<256x100xi32, #tpu.memory_space<vmem>> -> memref<1x100xi32, #tpu.memory_space<vmem>>
      %dma_wait3A_431 = tpu.memref_squeeze %dma_wait3A_430 : memref<1x100xi32, #tpu.memory_space<vmem>> -> memref<100xi32, #tpu.memory_space<vmem>>
      %dma_wait3A_432 = arith.constant 0 : i32
      %dma_wait3A_433 = arith.constant 0 : i32
      %dma_wait3A_434 = tpu.memref_slice %arg3[%dma_wait3A_432, %dma_wait3A_433] : memref<100000x128xf32, #tpu.memory_space<hbm>> -> memref<100000x128xf32, #tpu.memory_space<hbm>>
      tpu.wait_indirect_dma semaphore(%arg10 : memref<!tpu.dma_semaphore, #tpu.memory_space<semaphore_mem>>) src(%dma_wait3A_434 : memref<100000x128xf32, #tpu.memory_space<hbm>>) dst(%dma_wait3A_428 : memref<100x128xf32, #tpu.memory_space<vmem>>)
      %dma_wait3A_435 = arith.constant 0 : i32
      %dma_wait3A_436 = arith.constant 1 : i32
      %dma_wait3A_437 = arith.constant 0 : i32
      %dma_wait3A_438 = arith.constant 0 : i32
      %dma_wait3A_439 = tpu.memref_slice %arg7[%dma_wait3A_436, %dma_wait3A_437, %dma_wait3A_438] : memref<3x200x128xf32, #tpu.memory_space<vmem>> -> memref<1x200x128xf32, #tpu.memory_space<vmem>>
      %dma_wait3A_440 = tpu.memref_squeeze %dma_wait3A_439 : memref<1x200x128xf32, #tpu.memory_space<vmem>> -> memref<200x128xf32, #tpu.memory_space<vmem>>
      %dma_wait3A_441 = arith.constant 100 : i32
      %dma_wait3A_442 = arith.constant 0 : i32
      %dma_wait3A_443 = tpu.memref_slice %dma_wait3A_440[%dma_wait3A_441, %dma_wait3A_442] : memref<200x128xf32, #tpu.memory_space<vmem>> -> memref<100x128xf32, #tpu.memory_space<vmem>>
      %dma_wait3A_444 = arith.constant 0 : i32
      %dma_wait3A_445 = tpu.memref_slice %arg6[%dma_wait3A_435, %dma_wait3A_444] : memref<256x100xi32, #tpu.memory_space<vmem>> -> memref<1x100xi32, #tpu.memory_space<vmem>>
      %dma_wait3A_446 = tpu.memref_squeeze %dma_wait3A_445 : memref<1x100xi32, #tpu.memory_space<vmem>> -> memref<100xi32, #tpu.memory_space<vmem>>
      %dma_wait3A_447 = arith.constant 0 : i32
      %dma_wait3A_448 = arith.constant 0 : i32
      %dma_wait3A_449 = tpu.memref_slice %arg3[%dma_wait3A_447, %dma_wait3A_448] : memref<100000x128xf32, #tpu.memory_space<hbm>> -> memref<100000x128xf32, #tpu.memory_space<hbm>>
      tpu.wait_indirect_dma semaphore(%arg10 : memref<!tpu.dma_semaphore, #tpu.memory_space<semaphore_mem>>) src(%dma_wait3A_449 : memref<100000x128xf32, #tpu.memory_space<hbm>>) dst(%dma_wait3A_443 : memref<100x128xf32, #tpu.memory_space<vmem>>)
      %mul3A_450 = arith.constant 25600 : i32
      %mul3A_451 = arith.muli %add3A, %mul3A_450 : i32
      %mul3A_452 = arith.constant 200 : i32
      %mul3A_453 = arith.muli %add3A_419, %mul3A_452 : i32
      %add3A_454 = arith.addi %mul3A_451, %mul3A_453 : i32
      %dma_start3A_455 = arith.constant 1 : i32
      %dma_start3A_456 = arith.constant 0 : i32
      %dma_start3A_457 = arith.constant 0 : i32
      %dma_start3A_458 = tpu.memref_slice %arg7[%dma_start3A_455, %dma_start3A_456, %dma_start3A_457] : memref<3x200x128xf32, #tpu.memory_space<vmem>> -> memref<1x200x128xf32, #tpu.memory_space<vmem>>
      %dma_start3A_459 = tpu.memref_squeeze %dma_start3A_458 : memref<1x200x128xf32, #tpu.memory_space<vmem>> -> memref<200x128xf32, #tpu.memory_space<vmem>>
      %dma_start3A_460 = arith.constant 0 : i32
      %dma_start3A_461 = tpu.memref_slice %arg5[%add3A_454, %dma_start3A_460] : memref<819200x128xf32, #tpu.memory_space<hbm>> -> memref<200x128xf32, #tpu.memory_space<hbm>>
      %dma_start3A_462 = arith.constant 0 : i32
      %dma_start3A_463 = tpu.memref_slice %arg5[%add3A_454, %dma_start3A_462] : memref<819200x128xf32, #tpu.memory_space<hbm>> -> memref<200x128xf32, #tpu.memory_space<hbm>>
      %dma_start3A_464 = arith.constant 0 : i32
      %dma_start3A_465 = arith.constant 0 : i32
      %dma_start3A_466 = tpu.memref_slice %arg7[%dma_start3A_455, %dma_start3A_464, %dma_start3A_465] : memref<3x200x128xf32, #tpu.memory_space<vmem>> -> memref<1x200x128xf32, #tpu.memory_space<vmem>>
      %dma_start3A_467 = tpu.memref_squeeze %dma_start3A_466 : memref<1x200x128xf32, #tpu.memory_space<vmem>> -> memref<200x128xf32, #tpu.memory_space<vmem>>
      tpu.enqueue_dma source(%dma_start3A_467 : memref<200x128xf32, #tpu.memory_space<vmem>>) target(%dma_start3A_463 : memref<200x128xf32, #tpu.memory_space<hbm>>) target_semaphore(%arg13 : memref<!tpu.dma_semaphore, #tpu.memory_space<semaphore_mem>>)
      %mul3A_468 = arith.constant 3 : i32
      %mul3A_469 = arith.muli %scan3A_238, %mul3A_468 : i32
      %add3A_470 = arith.constant 2 : i32
      %add3A_471 = arith.addi %mul3A_469, %add3A_470 : i32
      %dma_wait3A_472 = arith.constant 0 : i32
      %dma_wait3A_473 = arith.constant 2 : i32
      %dma_wait3A_474 = arith.constant 0 : i32
      %dma_wait3A_475 = arith.constant 0 : i32
      %dma_wait3A_476 = tpu.memref_slice %arg7[%dma_wait3A_473, %dma_wait3A_474, %dma_wait3A_475] : memref<3x200x128xf32, #tpu.memory_space<vmem>> -> memref<1x200x128xf32, #tpu.memory_space<vmem>>
      %dma_wait3A_477 = tpu.memref_squeeze %dma_wait3A_476 : memref<1x200x128xf32, #tpu.memory_space<vmem>> -> memref<200x128xf32, #tpu.memory_space<vmem>>
      %dma_wait3A_478 = arith.constant 0 : i32
      %dma_wait3A_479 = arith.constant 0 : i32
      %dma_wait3A_480 = tpu.memref_slice %dma_wait3A_477[%dma_wait3A_478, %dma_wait3A_479] : memref<200x128xf32, #tpu.memory_space<vmem>> -> memref<100x128xf32, #tpu.memory_space<vmem>>
      %dma_wait3A_481 = arith.constant 0 : i32
      %dma_wait3A_482 = tpu.memref_slice %arg6[%dma_wait3A_472, %dma_wait3A_481] : memref<256x100xi32, #tpu.memory_space<vmem>> -> memref<1x100xi32, #tpu.memory_space<vmem>>
      %dma_wait3A_483 = tpu.memref_squeeze %dma_wait3A_482 : memref<1x100xi32, #tpu.memory_space<vmem>> -> memref<100xi32, #tpu.memory_space<vmem>>
      %dma_wait3A_484 = arith.constant 0 : i32
      %dma_wait3A_485 = arith.constant 0 : i32
      %dma_wait3A_486 = tpu.memref_slice %arg3[%dma_wait3A_484, %dma_wait3A_485] : memref<100000x128xf32, #tpu.memory_space<hbm>> -> memref<100000x128xf32, #tpu.memory_space<hbm>>
      tpu.wait_indirect_dma semaphore(%arg11 : memref<!tpu.dma_semaphore, #tpu.memory_space<semaphore_mem>>) src(%dma_wait3A_486 : memref<100000x128xf32, #tpu.memory_space<hbm>>) dst(%dma_wait3A_480 : memref<100x128xf32, #tpu.memory_space<vmem>>)
      %dma_wait3A_487 = arith.constant 0 : i32
      %dma_wait3A_488 = arith.constant 2 : i32
      %dma_wait3A_489 = arith.constant 0 : i32
      %dma_wait3A_490 = arith.constant 0 : i32
      %dma_wait3A_491 = tpu.memref_slice %arg7[%dma_wait3A_488, %dma_wait3A_489, %dma_wait3A_490] : memref<3x200x128xf32, #tpu.memory_space<vmem>> -> memref<1x200x128xf32, #tpu.memory_space<vmem>>
      %dma_wait3A_492 = tpu.memref_squeeze %dma_wait3A_491 : memref<1x200x128xf32, #tpu.memory_space<vmem>> -> memref<200x128xf32, #tpu.memory_space<vmem>>
      %dma_wait3A_493 = arith.constant 100 : i32
      %dma_wait3A_494 = arith.constant 0 : i32
      %dma_wait3A_495 = tpu.memref_slice %dma_wait3A_492[%dma_wait3A_493, %dma_wait3A_494] : memref<200x128xf32, #tpu.memory_space<vmem>> -> memref<100x128xf32, #tpu.memory_space<vmem>>
      %dma_wait3A_496 = arith.constant 0 : i32
      %dma_wait3A_497 = tpu.memref_slice %arg6[%dma_wait3A_487, %dma_wait3A_496] : memref<256x100xi32, #tpu.memory_space<vmem>> -> memref<1x100xi32, #tpu.memory_space<vmem>>
      %dma_wait3A_498 = tpu.memref_squeeze %dma_wait3A_497 : memref<1x100xi32, #tpu.memory_space<vmem>> -> memref<100xi32, #tpu.memory_space<vmem>>
      %dma_wait3A_499 = arith.constant 0 : i32
      %dma_wait3A_500 = arith.constant 0 : i32
      %dma_wait3A_501 = tpu.memref_slice %arg3[%dma_wait3A_499, %dma_wait3A_500] : memref<100000x128xf32, #tpu.memory_space<hbm>> -> memref<100000x128xf32, #tpu.memory_space<hbm>>
      tpu.wait_indirect_dma semaphore(%arg11 : memref<!tpu.dma_semaphore, #tpu.memory_space<semaphore_mem>>) src(%dma_wait3A_501 : memref<100000x128xf32, #tpu.memory_space<hbm>>) dst(%dma_wait3A_495 : memref<100x128xf32, #tpu.memory_space<vmem>>)
      %mul3A_502 = arith.constant 25600 : i32
      %mul3A_503 = arith.muli %add3A, %mul3A_502 : i32
      %mul3A_504 = arith.constant 200 : i32
      %mul3A_505 = arith.muli %add3A_471, %mul3A_504 : i32
      %add3A_506 = arith.addi %mul3A_503, %mul3A_505 : i32
      %dma_start3A_507 = arith.constant 2 : i32
      %dma_start3A_508 = arith.constant 0 : i32
      %dma_start3A_509 = arith.constant 0 : i32
      %dma_start3A_510 = tpu.memref_slice %arg7[%dma_start3A_507, %dma_start3A_508, %dma_start3A_509] : memref<3x200x128xf32, #tpu.memory_space<vmem>> -> memref<1x200x128xf32, #tpu.memory_space<vmem>>
      %dma_start3A_511 = tpu.memref_squeeze %dma_start3A_510 : memref<1x200x128xf32, #tpu.memory_space<vmem>> -> memref<200x128xf32, #tpu.memory_space<vmem>>
      %dma_start3A_512 = arith.constant 0 : i32
      %dma_start3A_513 = tpu.memref_slice %arg5[%add3A_506, %dma_start3A_512] : memref<819200x128xf32, #tpu.memory_space<hbm>> -> memref<200x128xf32, #tpu.memory_space<hbm>>
      %dma_start3A_514 = arith.constant 0 : i32
      %dma_start3A_515 = tpu.memref_slice %arg5[%add3A_506, %dma_start3A_514] : memref<819200x128xf32, #tpu.memory_space<hbm>> -> memref<200x128xf32, #tpu.memory_space<hbm>>
      %dma_start3A_516 = arith.constant 0 : i32
      %dma_start3A_517 = arith.constant 0 : i32
      %dma_start3A_518 = tpu.memref_slice %arg7[%dma_start3A_507, %dma_start3A_516, %dma_start3A_517] : memref<3x200x128xf32, #tpu.memory_space<vmem>> -> memref<1x200x128xf32, #tpu.memory_space<vmem>>
      %dma_start3A_519 = tpu.memref_squeeze %dma_start3A_518 : memref<1x200x128xf32, #tpu.memory_space<vmem>> -> memref<200x128xf32, #tpu.memory_space<vmem>>
      tpu.enqueue_dma source(%dma_start3A_519 : memref<200x128xf32, #tpu.memory_space<vmem>>) target(%dma_start3A_515 : memref<200x128xf32, #tpu.memory_space<hbm>>) target_semaphore(%arg14 : memref<!tpu.dma_semaphore, #tpu.memory_space<semaphore_mem>>)
    }
    %scan3A_9 = arith.constant 42 : i32
    %mul3A_10 = arith.constant 25600 : i32
    %mul3A_11 = arith.muli %add3A, %mul3A_10 : i32
    %dma_wait3A = arith.constant 0 : i32
    %dma_wait3A_12 = arith.constant 0 : i32
    %dma_wait3A_13 = arith.constant 0 : i32
    %dma_wait3A_14 = tpu.memref_slice %arg7[%dma_wait3A, %dma_wait3A_12, %dma_wait3A_13] : memref<3x200x128xf32, #tpu.memory_space<vmem>> -> memref<1x200x128xf32, #tpu.memory_space<vmem>>
    %dma_wait3A_15 = tpu.memref_squeeze %dma_wait3A_14 : memref<1x200x128xf32, #tpu.memory_space<vmem>> -> memref<200x128xf32, #tpu.memory_space<vmem>>
    %dma_wait3A_16 = arith.constant 0 : i32
    %dma_wait3A_17 = tpu.memref_slice %arg5[%mul3A_11, %dma_wait3A_16] : memref<819200x128xf32, #tpu.memory_space<hbm>> -> memref<200x128xf32, #tpu.memory_space<hbm>>
    %dma_wait3A_18 = arith.constant 0 : i32
    %dma_wait3A_19 = tpu.memref_slice %arg5[%mul3A_11, %dma_wait3A_18] : memref<819200x128xf32, #tpu.memory_space<hbm>> -> memref<200x128xf32, #tpu.memory_space<hbm>>
    %dma_wait3A_20 = arith.constant 0 : i32
    %dma_wait3A_21 = arith.constant 0 : i32
    %dma_wait3A_22 = tpu.memref_slice %arg7[%dma_wait3A, %dma_wait3A_20, %dma_wait3A_21] : memref<3x200x128xf32, #tpu.memory_space<vmem>> -> memref<1x200x128xf32, #tpu.memory_space<vmem>>
    %dma_wait3A_23 = tpu.memref_squeeze %dma_wait3A_22 : memref<1x200x128xf32, #tpu.memory_space<vmem>> -> memref<200x128xf32, #tpu.memory_space<vmem>>
    tpu.wait_dma2 semaphore(%arg12 : memref<!tpu.dma_semaphore, #tpu.memory_space<semaphore_mem>>) src(%dma_wait3A_23 : memref<200x128xf32, #tpu.memory_space<vmem>>) dst(%dma_wait3A_19 : memref<200x128xf32, #tpu.memory_space<hbm>>)
    %run_scoped3A = arith.constant 0 : i32
    "tpu.region"() ({
      %run_scoped3A_238 = tpu.sem_alloc : memref<!tpu.dma_semaphore, #tpu.memory_space<semaphore_mem>>
      %dma_start3A_239 = arith.constant 0 : i32
      %dma_start3A_240 = arith.constant 0 : i32
      %dma_start3A_241 = tpu.memref_slice %arg7[%run_scoped3A, %dma_start3A_239, %dma_start3A_240] : memref<3x200x128xf32, #tpu.memory_space<vmem>> -> memref<1x200x128xf32, #tpu.memory_space<vmem>>
      %dma_start3A_242 = tpu.memref_squeeze %dma_start3A_241 : memref<1x200x128xf32, #tpu.memory_space<vmem>> -> memref<200x128xf32, #tpu.memory_space<vmem>>
      %dma_start3A_243 = arith.constant 0 : i32
      %dma_start3A_244 = arith.constant 0 : i32
      %dma_start3A_245 = tpu.memref_slice %arg7[%run_scoped3A, %dma_start3A_243, %dma_start3A_244] : memref<3x200x128xf32, #tpu.memory_space<vmem>> -> memref<1x200x128xf32, #tpu.memory_space<vmem>>
      %dma_start3A_246 = tpu.memref_squeeze %dma_start3A_245 : memref<1x200x128xf32, #tpu.memory_space<vmem>> -> memref<200x128xf32, #tpu.memory_space<vmem>>
      tpu.enqueue_dma source(%arg8 : memref<200x128xf32, #tpu.memory_space<vmem_shared>>) target(%dma_start3A_246 : memref<200x128xf32, #tpu.memory_space<vmem>>) target_semaphore(%run_scoped3A_238 : memref<!tpu.dma_semaphore, #tpu.memory_space<semaphore_mem>>)
      %dma_wait3A_247 = arith.constant 0 : i32
      %dma_wait3A_248 = arith.constant 0 : i32
      %dma_wait3A_249 = tpu.memref_slice %arg7[%run_scoped3A, %dma_wait3A_247, %dma_wait3A_248] : memref<3x200x128xf32, #tpu.memory_space<vmem>> -> memref<1x200x128xf32, #tpu.memory_space<vmem>>
      %dma_wait3A_250 = tpu.memref_squeeze %dma_wait3A_249 : memref<1x200x128xf32, #tpu.memory_space<vmem>> -> memref<200x128xf32, #tpu.memory_space<vmem>>
      %dma_wait3A_251 = arith.constant 0 : i32
      %dma_wait3A_252 = arith.constant 0 : i32
      %dma_wait3A_253 = tpu.memref_slice %arg7[%run_scoped3A, %dma_wait3A_251, %dma_wait3A_252] : memref<3x200x128xf32, #tpu.memory_space<vmem>> -> memref<1x200x128xf32, #tpu.memory_space<vmem>>
      %dma_wait3A_254 = tpu.memref_squeeze %dma_wait3A_253 : memref<1x200x128xf32, #tpu.memory_space<vmem>> -> memref<200x128xf32, #tpu.memory_space<vmem>>
      tpu.wait_dma2 semaphore(%run_scoped3A_238 : memref<!tpu.dma_semaphore, #tpu.memory_space<semaphore_mem>>) src(%arg8 : memref<200x128xf32, #tpu.memory_space<vmem_shared>>) dst(%dma_wait3A_254 : memref<200x128xf32, #tpu.memory_space<vmem>>)
      tpu.yield
    }) : () -> ()
    %dma_start3A = arith.constant 252 : i32
    %dma_start3A_24 = arith.constant 0 : i32
    %dma_start3A_25 = arith.constant 0 : i32
    %dma_start3A_26 = arith.constant 0 : i32
    %dma_start3A_27 = tpu.memref_slice %arg7[%dma_start3A_24, %dma_start3A_25, %dma_start3A_26] : memref<3x200x128xf32, #tpu.memory_space<vmem>> -> memref<1x200x128xf32, #tpu.memory_space<vmem>>
    %dma_start3A_28 = tpu.memref_squeeze %dma_start3A_27 : memref<1x200x128xf32, #tpu.memory_space<vmem>> -> memref<200x128xf32, #tpu.memory_space<vmem>>
    %dma_start3A_29 = arith.constant 0 : i32
    %dma_start3A_30 = arith.constant 0 : i32
    %dma_start3A_31 = tpu.memref_slice %dma_start3A_28[%dma_start3A_29, %dma_start3A_30] : memref<200x128xf32, #tpu.memory_space<vmem>> -> memref<100x128xf32, #tpu.memory_space<vmem>>
    %dma_start3A_32 = arith.constant 0 : i32
    %dma_start3A_33 = tpu.memref_slice %arg6[%dma_start3A, %dma_start3A_32] : memref<256x100xi32, #tpu.memory_space<vmem>> -> memref<1x100xi32, #tpu.memory_space<vmem>>
    %dma_start3A_34 = tpu.memref_squeeze %dma_start3A_33 : memref<1x100xi32, #tpu.memory_space<vmem>> -> memref<100xi32, #tpu.memory_space<vmem>>
    %dma_start3A_35 = arith.constant 0 : i32
    %dma_start3A_36 = arith.constant 0 : i32
    %dma_start3A_37 = tpu.memref_slice %arg3[%dma_start3A_35, %dma_start3A_36] : memref<100000x128xf32, #tpu.memory_space<hbm>> -> memref<100000x128xf32, #tpu.memory_space<hbm>>
    tpu.enqueue_indirect_dma source(%dma_start3A_37 : memref<100000x128xf32, #tpu.memory_space<hbm>>) target(%dma_start3A_31 : memref<100x128xf32, #tpu.memory_space<vmem>>) offsets(%dma_start3A_34 : memref<100xi32, #tpu.memory_space<vmem>>) semaphore(%arg9 : memref<!tpu.dma_semaphore, #tpu.memory_space<semaphore_mem>>) {add = true}
    %dma_start3A_38 = arith.constant 253 : i32
    %dma_start3A_39 = arith.constant 0 : i32
    %dma_start3A_40 = arith.constant 0 : i32
    %dma_start3A_41 = arith.constant 0 : i32
    %dma_start3A_42 = tpu.memref_slice %arg7[%dma_start3A_39, %dma_start3A_40, %dma_start3A_41] : memref<3x200x128xf32, #tpu.memory_space<vmem>> -> memref<1x200x128xf32, #tpu.memory_space<vmem>>
    %dma_start3A_43 = tpu.memref_squeeze %dma_start3A_42 : memref<1x200x128xf32, #tpu.memory_space<vmem>> -> memref<200x128xf32, #tpu.memory_space<vmem>>
    %dma_start3A_44 = arith.constant 100 : i32
    %dma_start3A_45 = arith.constant 0 : i32
    %dma_start3A_46 = tpu.memref_slice %dma_start3A_43[%dma_start3A_44, %dma_start3A_45] : memref<200x128xf32, #tpu.memory_space<vmem>> -> memref<100x128xf32, #tpu.memory_space<vmem>>
    %dma_start3A_47 = arith.constant 0 : i32
    %dma_start3A_48 = tpu.memref_slice %arg6[%dma_start3A_38, %dma_start3A_47] : memref<256x100xi32, #tpu.memory_space<vmem>> -> memref<1x100xi32, #tpu.memory_space<vmem>>
    %dma_start3A_49 = tpu.memref_squeeze %dma_start3A_48 : memref<1x100xi32, #tpu.memory_space<vmem>> -> memref<100xi32, #tpu.memory_space<vmem>>
    %dma_start3A_50 = arith.constant 0 : i32
    %dma_start3A_51 = arith.constant 0 : i32
    %dma_start3A_52 = tpu.memref_slice %arg3[%dma_start3A_50, %dma_start3A_51] : memref<100000x128xf32, #tpu.memory_space<hbm>> -> memref<100000x128xf32, #tpu.memory_space<hbm>>
    tpu.enqueue_indirect_dma source(%dma_start3A_52 : memref<100000x128xf32, #tpu.memory_space<hbm>>) target(%dma_start3A_46 : memref<100x128xf32, #tpu.memory_space<vmem>>) offsets(%dma_start3A_49 : memref<100xi32, #tpu.memory_space<vmem>>) semaphore(%arg9 : memref<!tpu.dma_semaphore, #tpu.memory_space<semaphore_mem>>) {add = true}
    %mul3A_53 = arith.constant 25600 : i32
    %mul3A_54 = arith.muli %add3A, %mul3A_53 : i32
    %dma_wait3A_55 = arith.constant 1 : i32
    %dma_wait3A_56 = arith.constant 0 : i32
    %dma_wait3A_57 = arith.constant 0 : i32
    %dma_wait3A_58 = tpu.memref_slice %arg7[%dma_wait3A_55, %dma_wait3A_56, %dma_wait3A_57] : memref<3x200x128xf32, #tpu.memory_space<vmem>> -> memref<1x200x128xf32, #tpu.memory_space<vmem>>
    %dma_wait3A_59 = tpu.memref_squeeze %dma_wait3A_58 : memref<1x200x128xf32, #tpu.memory_space<vmem>> -> memref<200x128xf32, #tpu.memory_space<vmem>>
    %dma_wait3A_60 = arith.constant 0 : i32
    %dma_wait3A_61 = tpu.memref_slice %arg5[%mul3A_54, %dma_wait3A_60] : memref<819200x128xf32, #tpu.memory_space<hbm>> -> memref<200x128xf32, #tpu.memory_space<hbm>>
    %dma_wait3A_62 = arith.constant 0 : i32
    %dma_wait3A_63 = tpu.memref_slice %arg5[%mul3A_54, %dma_wait3A_62] : memref<819200x128xf32, #tpu.memory_space<hbm>> -> memref<200x128xf32, #tpu.memory_space<hbm>>
    %dma_wait3A_64 = arith.constant 0 : i32
    %dma_wait3A_65 = arith.constant 0 : i32
    %dma_wait3A_66 = tpu.memref_slice %arg7[%dma_wait3A_55, %dma_wait3A_64, %dma_wait3A_65] : memref<3x200x128xf32, #tpu.memory_space<vmem>> -> memref<1x200x128xf32, #tpu.memory_space<vmem>>
    %dma_wait3A_67 = tpu.memref_squeeze %dma_wait3A_66 : memref<1x200x128xf32, #tpu.memory_space<vmem>> -> memref<200x128xf32, #tpu.memory_space<vmem>>
    tpu.wait_dma2 semaphore(%arg13 : memref<!tpu.dma_semaphore, #tpu.memory_space<semaphore_mem>>) src(%dma_wait3A_67 : memref<200x128xf32, #tpu.memory_space<vmem>>) dst(%dma_wait3A_63 : memref<200x128xf32, #tpu.memory_space<hbm>>)
    %run_scoped3A_68 = arith.constant 1 : i32
    "tpu.region"() ({
      %run_scoped3A_238 = tpu.sem_alloc : memref<!tpu.dma_semaphore, #tpu.memory_space<semaphore_mem>>
      %dma_start3A_239 = arith.constant 0 : i32
      %dma_start3A_240 = arith.constant 0 : i32
      %dma_start3A_241 = tpu.memref_slice %arg7[%run_scoped3A_68, %dma_start3A_239, %dma_start3A_240] : memref<3x200x128xf32, #tpu.memory_space<vmem>> -> memref<1x200x128xf32, #tpu.memory_space<vmem>>
      %dma_start3A_242 = tpu.memref_squeeze %dma_start3A_241 : memref<1x200x128xf32, #tpu.memory_space<vmem>> -> memref<200x128xf32, #tpu.memory_space<vmem>>
      %dma_start3A_243 = arith.constant 0 : i32
      %dma_start3A_244 = arith.constant 0 : i32
      %dma_start3A_245 = tpu.memref_slice %arg7[%run_scoped3A_68, %dma_start3A_243, %dma_start3A_244] : memref<3x200x128xf32, #tpu.memory_space<vmem>> -> memref<1x200x128xf32, #tpu.memory_space<vmem>>
      %dma_start3A_246 = tpu.memref_squeeze %dma_start3A_245 : memref<1x200x128xf32, #tpu.memory_space<vmem>> -> memref<200x128xf32, #tpu.memory_space<vmem>>
      tpu.enqueue_dma source(%arg8 : memref<200x128xf32, #tpu.memory_space<vmem_shared>>) target(%dma_start3A_246 : memref<200x128xf32, #tpu.memory_space<vmem>>) target_semaphore(%run_scoped3A_238 : memref<!tpu.dma_semaphore, #tpu.memory_space<semaphore_mem>>)
      %dma_wait3A_247 = arith.constant 0 : i32
      %dma_wait3A_248 = arith.constant 0 : i32
      %dma_wait3A_249 = tpu.memref_slice %arg7[%run_scoped3A_68, %dma_wait3A_247, %dma_wait3A_248] : memref<3x200x128xf32, #tpu.memory_space<vmem>> -> memref<1x200x128xf32, #tpu.memory_space<vmem>>
      %dma_wait3A_250 = tpu.memref_squeeze %dma_wait3A_249 : memref<1x200x128xf32, #tpu.memory_space<vmem>> -> memref<200x128xf32, #tpu.memory_space<vmem>>
      %dma_wait3A_251 = arith.constant 0 : i32
      %dma_wait3A_252 = arith.constant 0 : i32
      %dma_wait3A_253 = tpu.memref_slice %arg7[%run_scoped3A_68, %dma_wait3A_251, %dma_wait3A_252] : memref<3x200x128xf32, #tpu.memory_space<vmem>> -> memref<1x200x128xf32, #tpu.memory_space<vmem>>
      %dma_wait3A_254 = tpu.memref_squeeze %dma_wait3A_253 : memref<1x200x128xf32, #tpu.memory_space<vmem>> -> memref<200x128xf32, #tpu.memory_space<vmem>>
      tpu.wait_dma2 semaphore(%run_scoped3A_238 : memref<!tpu.dma_semaphore, #tpu.memory_space<semaphore_mem>>) src(%arg8 : memref<200x128xf32, #tpu.memory_space<vmem_shared>>) dst(%dma_wait3A_254 : memref<200x128xf32, #tpu.memory_space<vmem>>)
      tpu.yield
    }) : () -> ()
    %dma_start3A_69 = arith.constant 254 : i32
    %dma_start3A_70 = arith.constant 1 : i32
    %dma_start3A_71 = arith.constant 0 : i32
    %dma_start3A_72 = arith.constant 0 : i32
    %dma_start3A_73 = tpu.memref_slice %arg7[%dma_start3A_70, %dma_start3A_71, %dma_start3A_72] : memref<3x200x128xf32, #tpu.memory_space<vmem>> -> memref<1x200x128xf32, #tpu.memory_space<vmem>>
    %dma_start3A_74 = tpu.memref_squeeze %dma_start3A_73 : memref<1x200x128xf32, #tpu.memory_space<vmem>> -> memref<200x128xf32, #tpu.memory_space<vmem>>
    %dma_start3A_75 = arith.constant 0 : i32
    %dma_start3A_76 = arith.constant 0 : i32
    %dma_start3A_77 = tpu.memref_slice %dma_start3A_74[%dma_start3A_75, %dma_start3A_76] : memref<200x128xf32, #tpu.memory_space<vmem>> -> memref<100x128xf32, #tpu.memory_space<vmem>>
    %dma_start3A_78 = arith.constant 0 : i32
    %dma_start3A_79 = tpu.memref_slice %arg6[%dma_start3A_69, %dma_start3A_78] : memref<256x100xi32, #tpu.memory_space<vmem>> -> memref<1x100xi32, #tpu.memory_space<vmem>>
    %dma_start3A_80 = tpu.memref_squeeze %dma_start3A_79 : memref<1x100xi32, #tpu.memory_space<vmem>> -> memref<100xi32, #tpu.memory_space<vmem>>
    %dma_start3A_81 = arith.constant 0 : i32
    %dma_start3A_82 = arith.constant 0 : i32
    %dma_start3A_83 = tpu.memref_slice %arg3[%dma_start3A_81, %dma_start3A_82] : memref<100000x128xf32, #tpu.memory_space<hbm>> -> memref<100000x128xf32, #tpu.memory_space<hbm>>
    tpu.enqueue_indirect_dma source(%dma_start3A_83 : memref<100000x128xf32, #tpu.memory_space<hbm>>) target(%dma_start3A_77 : memref<100x128xf32, #tpu.memory_space<vmem>>) offsets(%dma_start3A_80 : memref<100xi32, #tpu.memory_space<vmem>>) semaphore(%arg10 : memref<!tpu.dma_semaphore, #tpu.memory_space<semaphore_mem>>) {add = true}
    %dma_start3A_84 = arith.constant 255 : i32
    %dma_start3A_85 = arith.constant 1 : i32
    %dma_start3A_86 = arith.constant 0 : i32
    %dma_start3A_87 = arith.constant 0 : i32
    %dma_start3A_88 = tpu.memref_slice %arg7[%dma_start3A_85, %dma_start3A_86, %dma_start3A_87] : memref<3x200x128xf32, #tpu.memory_space<vmem>> -> memref<1x200x128xf32, #tpu.memory_space<vmem>>
    %dma_start3A_89 = tpu.memref_squeeze %dma_start3A_88 : memref<1x200x128xf32, #tpu.memory_space<vmem>> -> memref<200x128xf32, #tpu.memory_space<vmem>>
    %dma_start3A_90 = arith.constant 100 : i32
    %dma_start3A_91 = arith.constant 0 : i32
    %dma_start3A_92 = tpu.memref_slice %dma_start3A_89[%dma_start3A_90, %dma_start3A_91] : memref<200x128xf32, #tpu.memory_space<vmem>> -> memref<100x128xf32, #tpu.memory_space<vmem>>
    %dma_start3A_93 = arith.constant 0 : i32
    %dma_start3A_94 = tpu.memref_slice %arg6[%dma_start3A_84, %dma_start3A_93] : memref<256x100xi32, #tpu.memory_space<vmem>> -> memref<1x100xi32, #tpu.memory_space<vmem>>
    %dma_start3A_95 = tpu.memref_squeeze %dma_start3A_94 : memref<1x100xi32, #tpu.memory_space<vmem>> -> memref<100xi32, #tpu.memory_space<vmem>>
    %dma_start3A_96 = arith.constant 0 : i32
    %dma_start3A_97 = arith.constant 0 : i32
    %dma_start3A_98 = tpu.memref_slice %arg3[%dma_start3A_96, %dma_start3A_97] : memref<100000x128xf32, #tpu.memory_space<hbm>> -> memref<100000x128xf32, #tpu.memory_space<hbm>>
    tpu.enqueue_indirect_dma source(%dma_start3A_98 : memref<100000x128xf32, #tpu.memory_space<hbm>>) target(%dma_start3A_92 : memref<100x128xf32, #tpu.memory_space<vmem>>) offsets(%dma_start3A_95 : memref<100xi32, #tpu.memory_space<vmem>>) semaphore(%arg10 : memref<!tpu.dma_semaphore, #tpu.memory_space<semaphore_mem>>) {add = true}
    %dma_wait3A_99 = arith.constant 0 : i32
    %dma_wait3A_100 = arith.constant 0 : i32
    %dma_wait3A_101 = arith.constant 0 : i32
    %dma_wait3A_102 = arith.constant 0 : i32
    %dma_wait3A_103 = tpu.memref_slice %arg7[%dma_wait3A_100, %dma_wait3A_101, %dma_wait3A_102] : memref<3x200x128xf32, #tpu.memory_space<vmem>> -> memref<1x200x128xf32, #tpu.memory_space<vmem>>
    %dma_wait3A_104 = tpu.memref_squeeze %dma_wait3A_103 : memref<1x200x128xf32, #tpu.memory_space<vmem>> -> memref<200x128xf32, #tpu.memory_space<vmem>>
    %dma_wait3A_105 = arith.constant 0 : i32
    %dma_wait3A_106 = arith.constant 0 : i32
    %dma_wait3A_107 = tpu.memref_slice %dma_wait3A_104[%dma_wait3A_105, %dma_wait3A_106] : memref<200x128xf32, #tpu.memory_space<vmem>> -> memref<100x128xf32, #tpu.memory_space<vmem>>
    %dma_wait3A_108 = arith.constant 0 : i32
    %dma_wait3A_109 = tpu.memref_slice %arg6[%dma_wait3A_99, %dma_wait3A_108] : memref<256x100xi32, #tpu.memory_space<vmem>> -> memref<1x100xi32, #tpu.memory_space<vmem>>
    %dma_wait3A_110 = tpu.memref_squeeze %dma_wait3A_109 : memref<1x100xi32, #tpu.memory_space<vmem>> -> memref<100xi32, #tpu.memory_space<vmem>>
    %dma_wait3A_111 = arith.constant 0 : i32
    %dma_wait3A_112 = arith.constant 0 : i32
    %dma_wait3A_113 = tpu.memref_slice %arg3[%dma_wait3A_111, %dma_wait3A_112] : memref<100000x128xf32, #tpu.memory_space<hbm>> -> memref<100000x128xf32, #tpu.memory_space<hbm>>
    tpu.wait_indirect_dma semaphore(%arg9 : memref<!tpu.dma_semaphore, #tpu.memory_space<semaphore_mem>>) src(%dma_wait3A_113 : memref<100000x128xf32, #tpu.memory_space<hbm>>) dst(%dma_wait3A_107 : memref<100x128xf32, #tpu.memory_space<vmem>>)
    %dma_wait3A_114 = arith.constant 0 : i32
    %dma_wait3A_115 = arith.constant 0 : i32
    %dma_wait3A_116 = arith.constant 0 : i32
    %dma_wait3A_117 = arith.constant 0 : i32
    %dma_wait3A_118 = tpu.memref_slice %arg7[%dma_wait3A_115, %dma_wait3A_116, %dma_wait3A_117] : memref<3x200x128xf32, #tpu.memory_space<vmem>> -> memref<1x200x128xf32, #tpu.memory_space<vmem>>
    %dma_wait3A_119 = tpu.memref_squeeze %dma_wait3A_118 : memref<1x200x128xf32, #tpu.memory_space<vmem>> -> memref<200x128xf32, #tpu.memory_space<vmem>>
    %dma_wait3A_120 = arith.constant 100 : i32
    %dma_wait3A_121 = arith.constant 0 : i32
    %dma_wait3A_122 = tpu.memref_slice %dma_wait3A_119[%dma_wait3A_120, %dma_wait3A_121] : memref<200x128xf32, #tpu.memory_space<vmem>> -> memref<100x128xf32, #tpu.memory_space<vmem>>
    %dma_wait3A_123 = arith.constant 0 : i32
    %dma_wait3A_124 = tpu.memref_slice %arg6[%dma_wait3A_114, %dma_wait3A_123] : memref<256x100xi32, #tpu.memory_space<vmem>> -> memref<1x100xi32, #tpu.memory_space<vmem>>
    %dma_wait3A_125 = tpu.memref_squeeze %dma_wait3A_124 : memref<1x100xi32, #tpu.memory_space<vmem>> -> memref<100xi32, #tpu.memory_space<vmem>>
    %dma_wait3A_126 = arith.constant 0 : i32
    %dma_wait3A_127 = arith.constant 0 : i32
    %dma_wait3A_128 = tpu.memref_slice %arg3[%dma_wait3A_126, %dma_wait3A_127] : memref<100000x128xf32, #tpu.memory_space<hbm>> -> memref<100000x128xf32, #tpu.memory_space<hbm>>
    tpu.wait_indirect_dma semaphore(%arg9 : memref<!tpu.dma_semaphore, #tpu.memory_space<semaphore_mem>>) src(%dma_wait3A_128 : memref<100000x128xf32, #tpu.memory_space<hbm>>) dst(%dma_wait3A_122 : memref<100x128xf32, #tpu.memory_space<vmem>>)
    %mul3A_129 = arith.constant 25600 : i32
    %mul3A_130 = arith.muli %add3A, %mul3A_129 : i32
    %add3A_131 = arith.constant 25200 : i32
    %add3A_132 = arith.addi %mul3A_130, %add3A_131 : i32
    %dma_start3A_133 = arith.constant 0 : i32
    %dma_start3A_134 = arith.constant 0 : i32
    %dma_start3A_135 = arith.constant 0 : i32
    %dma_start3A_136 = tpu.memref_slice %arg7[%dma_start3A_133, %dma_start3A_134, %dma_start3A_135] : memref<3x200x128xf32, #tpu.memory_space<vmem>> -> memref<1x200x128xf32, #tpu.memory_space<vmem>>
    %dma_start3A_137 = tpu.memref_squeeze %dma_start3A_136 : memref<1x200x128xf32, #tpu.memory_space<vmem>> -> memref<200x128xf32, #tpu.memory_space<vmem>>
    %dma_start3A_138 = arith.constant 0 : i32
    %dma_start3A_139 = tpu.memref_slice %arg5[%add3A_132, %dma_start3A_138] : memref<819200x128xf32, #tpu.memory_space<hbm>> -> memref<200x128xf32, #tpu.memory_space<hbm>>
    %dma_start3A_140 = arith.constant 0 : i32
    %dma_start3A_141 = tpu.memref_slice %arg5[%add3A_132, %dma_start3A_140] : memref<819200x128xf32, #tpu.memory_space<hbm>> -> memref<200x128xf32, #tpu.memory_space<hbm>>
    %dma_start3A_142 = arith.constant 0 : i32
    %dma_start3A_143 = arith.constant 0 : i32
    %dma_start3A_144 = tpu.memref_slice %arg7[%dma_start3A_133, %dma_start3A_142, %dma_start3A_143] : memref<3x200x128xf32, #tpu.memory_space<vmem>> -> memref<1x200x128xf32, #tpu.memory_space<vmem>>
    %dma_start3A_145 = tpu.memref_squeeze %dma_start3A_144 : memref<1x200x128xf32, #tpu.memory_space<vmem>> -> memref<200x128xf32, #tpu.memory_space<vmem>>
    tpu.enqueue_dma source(%dma_start3A_145 : memref<200x128xf32, #tpu.memory_space<vmem>>) target(%dma_start3A_141 : memref<200x128xf32, #tpu.memory_space<hbm>>) target_semaphore(%arg12 : memref<!tpu.dma_semaphore, #tpu.memory_space<semaphore_mem>>)
    %dma_wait3A_146 = arith.constant 0 : i32
    %dma_wait3A_147 = arith.constant 1 : i32
    %dma_wait3A_148 = arith.constant 0 : i32
    %dma_wait3A_149 = arith.constant 0 : i32
    %dma_wait3A_150 = tpu.memref_slice %arg7[%dma_wait3A_147, %dma_wait3A_148, %dma_wait3A_149] : memref<3x200x128xf32, #tpu.memory_space<vmem>> -> memref<1x200x128xf32, #tpu.memory_space<vmem>>
    %dma_wait3A_151 = tpu.memref_squeeze %dma_wait3A_150 : memref<1x200x128xf32, #tpu.memory_space<vmem>> -> memref<200x128xf32, #tpu.memory_space<vmem>>
    %dma_wait3A_152 = arith.constant 0 : i32
    %dma_wait3A_153 = arith.constant 0 : i32
    %dma_wait3A_154 = tpu.memref_slice %dma_wait3A_151[%dma_wait3A_152, %dma_wait3A_153] : memref<200x128xf32, #tpu.memory_space<vmem>> -> memref<100x128xf32, #tpu.memory_space<vmem>>
    %dma_wait3A_155 = arith.constant 0 : i32
    %dma_wait3A_156 = tpu.memref_slice %arg6[%dma_wait3A_146, %dma_wait3A_155] : memref<256x100xi32, #tpu.memory_space<vmem>> -> memref<1x100xi32, #tpu.memory_space<vmem>>
    %dma_wait3A_157 = tpu.memref_squeeze %dma_wait3A_156 : memref<1x100xi32, #tpu.memory_space<vmem>> -> memref<100xi32, #tpu.memory_space<vmem>>
    %dma_wait3A_158 = arith.constant 0 : i32
    %dma_wait3A_159 = arith.constant 0 : i32
    %dma_wait3A_160 = tpu.memref_slice %arg3[%dma_wait3A_158, %dma_wait3A_159] : memref<100000x128xf32, #tpu.memory_space<hbm>> -> memref<100000x128xf32, #tpu.memory_space<hbm>>
    tpu.wait_indirect_dma semaphore(%arg10 : memref<!tpu.dma_semaphore, #tpu.memory_space<semaphore_mem>>) src(%dma_wait3A_160 : memref<100000x128xf32, #tpu.memory_space<hbm>>) dst(%dma_wait3A_154 : memref<100x128xf32, #tpu.memory_space<vmem>>)
    %dma_wait3A_161 = arith.constant 0 : i32
    %dma_wait3A_162 = arith.constant 1 : i32
    %dma_wait3A_163 = arith.constant 0 : i32
    %dma_wait3A_164 = arith.constant 0 : i32
    %dma_wait3A_165 = tpu.memref_slice %arg7[%dma_wait3A_162, %dma_wait3A_163, %dma_wait3A_164] : memref<3x200x128xf32, #tpu.memory_space<vmem>> -> memref<1x200x128xf32, #tpu.memory_space<vmem>>
    %dma_wait3A_166 = tpu.memref_squeeze %dma_wait3A_165 : memref<1x200x128xf32, #tpu.memory_space<vmem>> -> memref<200x128xf32, #tpu.memory_space<vmem>>
    %dma_wait3A_167 = arith.constant 100 : i32
    %dma_wait3A_168 = arith.constant 0 : i32
    %dma_wait3A_169 = tpu.memref_slice %dma_wait3A_166[%dma_wait3A_167, %dma_wait3A_168] : memref<200x128xf32, #tpu.memory_space<vmem>> -> memref<100x128xf32, #tpu.memory_space<vmem>>
    %dma_wait3A_170 = arith.constant 0 : i32
    %dma_wait3A_171 = tpu.memref_slice %arg6[%dma_wait3A_161, %dma_wait3A_170] : memref<256x100xi32, #tpu.memory_space<vmem>> -> memref<1x100xi32, #tpu.memory_space<vmem>>
    %dma_wait3A_172 = tpu.memref_squeeze %dma_wait3A_171 : memref<1x100xi32, #tpu.memory_space<vmem>> -> memref<100xi32, #tpu.memory_space<vmem>>
    %dma_wait3A_173 = arith.constant 0 : i32
    %dma_wait3A_174 = arith.constant 0 : i32
    %dma_wait3A_175 = tpu.memref_slice %arg3[%dma_wait3A_173, %dma_wait3A_174] : memref<100000x128xf32, #tpu.memory_space<hbm>> -> memref<100000x128xf32, #tpu.memory_space<hbm>>
    tpu.wait_indirect_dma semaphore(%arg10 : memref<!tpu.dma_semaphore, #tpu.memory_space<semaphore_mem>>) src(%dma_wait3A_175 : memref<100000x128xf32, #tpu.memory_space<hbm>>) dst(%dma_wait3A_169 : memref<100x128xf32, #tpu.memory_space<vmem>>)
    %mul3A_176 = arith.constant 25600 : i32
    %mul3A_177 = arith.muli %add3A, %mul3A_176 : i32
    %add3A_178 = arith.constant 25400 : i32
    %add3A_179 = arith.addi %mul3A_177, %add3A_178 : i32
    %dma_start3A_180 = arith.constant 1 : i32
    %dma_start3A_181 = arith.constant 0 : i32
    %dma_start3A_182 = arith.constant 0 : i32
    %dma_start3A_183 = tpu.memref_slice %arg7[%dma_start3A_180, %dma_start3A_181, %dma_start3A_182] : memref<3x200x128xf32, #tpu.memory_space<vmem>> -> memref<1x200x128xf32, #tpu.memory_space<vmem>>
    %dma_start3A_184 = tpu.memref_squeeze %dma_start3A_183 : memref<1x200x128xf32, #tpu.memory_space<vmem>> -> memref<200x128xf32, #tpu.memory_space<vmem>>
    %dma_start3A_185 = arith.constant 0 : i32
    %dma_start3A_186 = tpu.memref_slice %arg5[%add3A_179, %dma_start3A_185] : memref<819200x128xf32, #tpu.memory_space<hbm>> -> memref<200x128xf32, #tpu.memory_space<hbm>>
    %dma_start3A_187 = arith.constant 0 : i32
    %dma_start3A_188 = tpu.memref_slice %arg5[%add3A_179, %dma_start3A_187] : memref<819200x128xf32, #tpu.memory_space<hbm>> -> memref<200x128xf32, #tpu.memory_space<hbm>>
    %dma_start3A_189 = arith.constant 0 : i32
    %dma_start3A_190 = arith.constant 0 : i32
    %dma_start3A_191 = tpu.memref_slice %arg7[%dma_start3A_180, %dma_start3A_189, %dma_start3A_190] : memref<3x200x128xf32, #tpu.memory_space<vmem>> -> memref<1x200x128xf32, #tpu.memory_space<vmem>>
    %dma_start3A_192 = tpu.memref_squeeze %dma_start3A_191 : memref<1x200x128xf32, #tpu.memory_space<vmem>> -> memref<200x128xf32, #tpu.memory_space<vmem>>
    tpu.enqueue_dma source(%dma_start3A_192 : memref<200x128xf32, #tpu.memory_space<vmem>>) target(%dma_start3A_188 : memref<200x128xf32, #tpu.memory_space<hbm>>) target_semaphore(%arg13 : memref<!tpu.dma_semaphore, #tpu.memory_space<semaphore_mem>>)
    %mul3A_193 = arith.constant 25600 : i32
    %mul3A_194 = arith.muli %add3A, %mul3A_193 : i32
    %dma_wait3A_195 = arith.constant 0 : i32
    %dma_wait3A_196 = arith.constant 0 : i32
    %dma_wait3A_197 = arith.constant 0 : i32
    %dma_wait3A_198 = tpu.memref_slice %arg7[%dma_wait3A_195, %dma_wait3A_196, %dma_wait3A_197] : memref<3x200x128xf32, #tpu.memory_space<vmem>> -> memref<1x200x128xf32, #tpu.memory_space<vmem>>
    %dma_wait3A_199 = tpu.memref_squeeze %dma_wait3A_198 : memref<1x200x128xf32, #tpu.memory_space<vmem>> -> memref<200x128xf32, #tpu.memory_space<vmem>>
    %dma_wait3A_200 = arith.constant 0 : i32
    %dma_wait3A_201 = tpu.memref_slice %arg5[%mul3A_194, %dma_wait3A_200] : memref<819200x128xf32, #tpu.memory_space<hbm>> -> memref<200x128xf32, #tpu.memory_space<hbm>>
    %dma_wait3A_202 = arith.constant 0 : i32
    %dma_wait3A_203 = tpu.memref_slice %arg5[%mul3A_194, %dma_wait3A_202] : memref<819200x128xf32, #tpu.memory_space<hbm>> -> memref<200x128xf32, #tpu.memory_space<hbm>>
    %dma_wait3A_204 = arith.constant 0 : i32
    %dma_wait3A_205 = arith.constant 0 : i32
    %dma_wait3A_206 = tpu.memref_slice %arg7[%dma_wait3A_195, %dma_wait3A_204, %dma_wait3A_205] : memref<3x200x128xf32, #tpu.memory_space<vmem>> -> memref<1x200x128xf32, #tpu.memory_space<vmem>>
    %dma_wait3A_207 = tpu.memref_squeeze %dma_wait3A_206 : memref<1x200x128xf32, #tpu.memory_space<vmem>> -> memref<200x128xf32, #tpu.memory_space<vmem>>
    tpu.wait_dma2 semaphore(%arg12 : memref<!tpu.dma_semaphore, #tpu.memory_space<semaphore_mem>>) src(%dma_wait3A_207 : memref<200x128xf32, #tpu.memory_space<vmem>>) dst(%dma_wait3A_203 : memref<200x128xf32, #tpu.memory_space<hbm>>)
    %mul3A_208 = arith.constant 25600 : i32
    %mul3A_209 = arith.muli %add3A, %mul3A_208 : i32
    %dma_wait3A_210 = arith.constant 1 : i32
    %dma_wait3A_211 = arith.constant 0 : i32
    %dma_wait3A_212 = arith.constant 0 : i32
    %dma_wait3A_213 = tpu.memref_slice %arg7[%dma_wait3A_210, %dma_wait3A_211, %dma_wait3A_212] : memref<3x200x128xf32, #tpu.memory_space<vmem>> -> memref<1x200x128xf32, #tpu.memory_space<vmem>>
    %dma_wait3A_214 = tpu.memref_squeeze %dma_wait3A_213 : memref<1x200x128xf32, #tpu.memory_space<vmem>> -> memref<200x128xf32, #tpu.memory_space<vmem>>
    %dma_wait3A_215 = arith.constant 0 : i32
    %dma_wait3A_216 = tpu.memref_slice %arg5[%mul3A_209, %dma_wait3A_215] : memref<819200x128xf32, #tpu.memory_space<hbm>> -> memref<200x128xf32, #tpu.memory_space<hbm>>
    %dma_wait3A_217 = arith.constant 0 : i32
    %dma_wait3A_218 = tpu.memref_slice %arg5[%mul3A_209, %dma_wait3A_217] : memref<819200x128xf32, #tpu.memory_space<hbm>> -> memref<200x128xf32, #tpu.memory_space<hbm>>
    %dma_wait3A_219 = arith.constant 0 : i32
    %dma_wait3A_220 = arith.constant 0 : i32
    %dma_wait3A_221 = tpu.memref_slice %arg7[%dma_wait3A_210, %dma_wait3A_219, %dma_wait3A_220] : memref<3x200x128xf32, #tpu.memory_space<vmem>> -> memref<1x200x128xf32, #tpu.memory_space<vmem>>
    %dma_wait3A_222 = tpu.memref_squeeze %dma_wait3A_221 : memref<1x200x128xf32, #tpu.memory_space<vmem>> -> memref<200x128xf32, #tpu.memory_space<vmem>>
    tpu.wait_dma2 semaphore(%arg13 : memref<!tpu.dma_semaphore, #tpu.memory_space<semaphore_mem>>) src(%dma_wait3A_222 : memref<200x128xf32, #tpu.memory_space<vmem>>) dst(%dma_wait3A_218 : memref<200x128xf32, #tpu.memory_space<hbm>>)
    %mul3A_223 = arith.constant 25600 : i32
    %mul3A_224 = arith.muli %add3A, %mul3A_223 : i32
    %dma_wait3A_225 = arith.constant 2 : i32
    %dma_wait3A_226 = arith.constant 0 : i32
    %dma_wait3A_227 = arith.constant 0 : i32
    %dma_wait3A_228 = tpu.memref_slice %arg7[%dma_wait3A_225, %dma_wait3A_226, %dma_wait3A_227] : memref<3x200x128xf32, #tpu.memory_space<vmem>> -> memref<1x200x128xf32, #tpu.memory_space<vmem>>
    %dma_wait3A_229 = tpu.memref_squeeze %dma_wait3A_228 : memref<1x200x128xf32, #tpu.memory_space<vmem>> -> memref<200x128xf32, #tpu.memory_space<vmem>>
    %dma_wait3A_230 = arith.constant 0 : i32
    %dma_wait3A_231 = tpu.memref_slice %arg5[%mul3A_224, %dma_wait3A_230] : memref<819200x128xf32, #tpu.memory_space<hbm>> -> memref<200x128xf32, #tpu.memory_space<hbm>>
    %dma_wait3A_232 = arith.constant 0 : i32
    %dma_wait3A_233 = tpu.memref_slice %arg5[%mul3A_224, %dma_wait3A_232] : memref<819200x128xf32, #tpu.memory_space<hbm>> -> memref<200x128xf32, #tpu.memory_space<hbm>>
    %dma_wait3A_234 = arith.constant 0 : i32
    %dma_wait3A_235 = arith.constant 0 : i32
    %dma_wait3A_236 = tpu.memref_slice %arg7[%dma_wait3A_225, %dma_wait3A_234, %dma_wait3A_235] : memref<3x200x128xf32, #tpu.memory_space<vmem>> -> memref<1x200x128xf32, #tpu.memory_space<vmem>>
    %dma_wait3A_237 = tpu.memref_squeeze %dma_wait3A_236 : memref<1x200x128xf32, #tpu.memory_space<vmem>> -> memref<200x128xf32, #tpu.memory_space<vmem>>
    tpu.wait_dma2 semaphore(%arg14 : memref<!tpu.dma_semaphore, #tpu.memory_space<semaphore_mem>>) src(%dma_wait3A_237 : memref<200x128xf32, #tpu.memory_space<vmem>>) dst(%dma_wait3A_233 : memref<200x128xf32, #tpu.memory_space<hbm>>)
    return
  }
}

</mosaic_0001>

<sc_bundles>
// kernel: _tok_pos_embed.3.cloned.1.call-start
scs
__scs_entry_jumppad:
0x0: {  	(pc) =	sbr.rel $0x88, $3  }
0x1: {  	(tag) =	ssettag $0x0;
	lr =	simm.s32 $0x1  }
0x2: {  	[smem:$0x3F9E] =	sst lr;
	_ =	strace $0xD0000000  }
0x3: {  	_ = 	snop  }
0x4: {  	_ = 	snop  }
0x5: {  	_ = 	snop  }
0x6: {  	_ = 	snop  }
0x7: {  	_ = 	snop  }
__scs_overlays_trampoline_lowered:
0x8: {  	[smem:$0x3FAD] =	sst s0  }
0x9: {  	[smem:$0x3FAE] =	sst s1  }
0xa: {  	[smem:$0x3FAF] =	sst s2  }
0xb: {  	[smem:$0x3FB0] =	sst s3  }
0xc: {  	[smem:$0x3FB1] =	sst s4  }
0xd: {  	[smem:$0x3FB2] =	sst s5  }
0xe: {  	[smem:$0x3FB3] =	sst s6  }
0xf: {  	[smem:$0x3FB4] =	sst s7  }
0x10: {  	[smem:$0x3FB5] =	sst s8  }
0x11: {  	[smem:$0x3FB6] =	sst s9;
	s0 =	simm.s32 @!p0 $0x0  }
0x12: {  	s1 =	sld [smem:$0x3F9C];
	s0 =	simm.s32 @p0 $0x1  }
0x13: {  	[smem:$0x3FB7] =	sst s0;
	s0 =	simm.s32 @!p1 $0x0  }
0x14: {  	s2 =	sld [smem:$0x3F9B];
	s0 =	simm.s32 @p1 $0x1  }
0x15: {  	[smem:$0x3FB8] =	sst s0;
	s0 =	simm.s32 @!p2 $0x0  }
0x16: {  	s3 =	sld [smem:$0x3FDB];
	s0 =	simm.s32 @p2 $0x1  }
0x17: {  	s4 =	simm.s32 $0x1BF5;
	[smem:$0x3FBA] =	sst s0  }
0x18: {  	s0 =	sld [smem:$0x3F9D];
	_ =	swait.ge [sflag:s4], $0x0  }
0x19: {  	s7 =	sld [smem:$0x3F9E]  }
0x1a: {  	s8 =	sadd.s32 $0xFFFFE003, lr  }
0x1b: {  	s9 =	sadd.s32 $0xFFFFFEF7, lr;
	s5 =	simm.s32 $0xFFFFFFFF;
	p2 =	slt.u32 s8, $0xFFFFF086  }
0x1c: {  	p1 =	slt.u32 s9, $0xF7A;
	s5 =	simm.s32 @!p2 $0x0  }
0x1d: {  	s5 =	simm.s32 @p1 $0x1;
	p0 =	seq.s32 s7, s2  }
0x1e: {  	s7 =	smul.u32 @!p0 $0xF7A, s2;
	p2 =	seq.s32 @!p0 s5, $0x0  }
0x1f: {  	s9 =	smul.u32 $0xF7A, s1;
	s8 =	simm.s32 @!p0 $0x1BF5;
	p2 =	por !p2, p0  }
0x20: {  	[sflag:s8] =	ssyncset.s32 @!p0 $0xFFFFF086;
	s6 =	sadd.s32 @!p0 s3, s7;
	s7 =	simm.s32 @!p0 $0x108  }
0x21: {  	s3 =	sadd.s32 s3, s9;
	s6 =	sadd.s32 @!p0 $0x88, s6;
	s7 =	simm.s32 @p2 $0x1082  }
0x22: {  	[simem:s7], [sflag:s8] =	dma.local @!p0 [hbm:s6], $0xF7A  }
0x23: {  	s9 =	sor.u32 $0xD0000000, s2;
	s6 =	simm.s32 $0x108;
	_ =	swait.ge @!p0 [sflag:s8], $0x0  }
0x24: {  	s3 =	sadd.s32 $0x88, s3;
	s6 =	simm.s32 @!p1 $0x1082;
	[sflag:s4] =	ssyncset.s32 $0xFFFFF086  }
0x25: {  	[simem:s6], [sflag:s4] =	dma.local [hbm:s3], $0xF7A  }
0x26: {  	[smem:$0x3F9E] =	sst s1;
	(tag) =	ssettag s2;
	_ =	strace s9  }
0x27: {  	s1 =	sld [smem:$0x3FAE]  }
0x28: {  	s2 =	sld [smem:$0x3FAF]  }
0x29: {  	s4 =	sld [smem:$0x3FB1]  }
0x2a: {  	p0 =	seq.s32 s5, $0x0;
	s5 =	sld [smem:$0x3FB2]  }
0x2b: {  	s6 =	sld [smem:$0x3FB3]  }
0x2c: {  	s7 =	sld [smem:$0x3FB4]  }
0x2d: {  	s3 =	simm.s32 $0x108;
	s8 =	sld [smem:$0x3FB5]  }
0x2e: {  	s3 =	simm.s32 @!p0 $0x1082;
	s9 =	sld [smem:$0x3FB6]  }
0x2f: {  	lr =	sadd.s32 s0, s3;
	s0 =	sld [smem:$0x3FAD]  }
0x30: {  	s3 =	sld [smem:$0x3FB0]  }
0x31: {  	[smem:$0x3FB9] =	sst s10  }
0x32: {  	s10 =	sld [smem:$0x3FB7];
	_ =	sdelay $0x3  }
0x33: {  	p0 =	seq.s32 s10, $0x1;
	s10 =	sld [smem:$0x3FB9];
	_ =	sdelay $0x3  }
0x34: {  	[smem:$0x3FB9] =	sst s10  }
0x35: {  	s10 =	sld [smem:$0x3FB8];
	_ =	sdelay $0x3  }
0x36: {  	p1 =	seq.s32 s10, $0x1;
	s10 =	sld [smem:$0x3FB9];
	_ =	sdelay $0x3  }
0x37: {  	[smem:$0x3FB9] =	sst s10  }
0x38: {  	s10 =	sld [smem:$0x3FBA]  }
0x39: {  	_ = 	snop;
	(pc) =	sbr.ind lr, $3  }
0x3a: {  	_ = 	snop  }
0x3b: {  	_ = 	snop  }
0x3c: {  	p2 =	seq.s32 s10, $0x1;
	s10 =	sld [smem:$0x3FB9]  }
0x3d: {  	_ =	shalt  }
0x3e: {  	_ =	shalt  }
0x3f: {  	_ =	shalt  }
0x40: {  	_ =	shalt  }
0x41: {  	_ =	shalt  }
0x42: {  	_ =	shalt  }
0x43: {  	_ =	shalt  }
0x44: {  	_ =	shalt  }
0x45: {  	_ =	shalt  }
0x46: {  	_ =	shalt  }
0x47: {  	_ =	shalt  }
0x48: {  	_ =	shalt  }
0x49: {  	_ =	shalt  }
0x4a: {  	_ =	shalt  }
0x4b: {  	_ =	shalt  }
0x4c: {  	_ =	shalt  }
0x4d: {  	_ =	shalt  }
0x4e: {  	_ =	shalt  }
0x4f: {  	_ =	shalt  }
0x50: {  	_ =	shalt  }
0x51: {  	_ =	shalt  }
0x52: {  	_ =	shalt  }
0x53: {  	_ =	shalt  }
0x54: {  	_ =	shalt  }
0x55: {  	_ =	shalt  }
0x56: {  	_ =	shalt  }
0x57: {  	_ =	shalt  }
0x58: {  	_ =	shalt  }
0x59: {  	_ =	shalt  }
0x5a: {  	_ =	shalt  }
0x5b: {  	_ =	shalt  }
0x5c: {  	_ =	shalt  }
0x5d: {  	_ =	shalt  }
0x5e: {  	_ =	shalt  }
0x5f: {  	_ =	shalt  }
0x60: {  	_ =	shalt  }
0x61: {  	_ =	shalt  }
0x62: {  	_ =	shalt  }
0x63: {  	_ =	shalt  }
0x64: {  	_ =	shalt  }
0x65: {  	_ =	shalt  }
0x66: {  	_ =	shalt  }
0x67: {  	_ =	shalt  }
0x68: {  	_ =	shalt  }
0x69: {  	_ =	shalt  }
0x6a: {  	_ =	shalt  }
0x6b: {  	_ =	shalt  }
0x6c: {  	_ =	shalt  }
0x6d: {  	_ =	shalt  }
0x6e: {  	_ =	shalt  }
0x6f: {  	_ =	shalt  }
0x70: {  	_ =	shalt  }
0x71: {  	_ =	shalt  }
0x72: {  	_ =	shalt  }
0x73: {  	_ =	shalt  }
0x74: {  	_ =	shalt  }
0x75: {  	_ =	shalt  }
0x76: {  	_ =	shalt  }
0x77: {  	_ =	shalt  }
0x78: {  	_ =	shalt  }
0x79: {  	_ =	shalt  }
0x7a: {  	_ =	shalt  }
0x7b: {  	_ =	shalt  }
0x7c: {  	_ =	shalt  }
0x7d: {  	_ =	shalt  }
0x7e: {  	_ =	shalt  }
0x7f: {  	_ =	shalt  }
0x80: {  	_ =	shalt  }
0x81: {  	_ =	shalt  }
0x82: {  	_ =	shalt  }
0x83: {  	_ =	shalt  }
0x84: {  	_ =	shalt  }
0x85: {  	_ =	shalt  }
0x86: {  	_ =	shalt  }
0x87: {  	_ =	shalt  }
.Lfunc_end0:
.L_simem_size_0:
called_computation_lowered:
.L_overlay_start_0:
0x88: {  	s2 =	sld [smem:$0x3FD9]  }
0x89: {  	s3 =	sld [smem:$0x3FFE];
	_ =	sdelay $0x1  }
0x8a: {  	s1 =	srdreg.scid  }
0x8b: {  	s0 =	sand.u32 $0x1, s1  }
0x8c: {  	s17 =	sshll.u32 s0, $0xA;
	s2 =	sadd.s32 s3, s2  }
0x8d: {  	s2 =	sadd.s32 s2, s17  }
0x8e: {  	[smem:$0x3FC5] =	sst s2  }
0x8f: {  	_ = 	snop  }
0x90: {  	s2 =	sld [smem:$0x3FC8]  }
0x91: {  	s18 =	sld [smem:$0x3FC7]  }
0x92: {  	s4 =	sld [smem:$0x3FD0];
	(tm) =	ssettm $0x1  }
0x93: {  	s5 =	sld [smem:$0x3FFB];
	_ =	sdelay $0x3  }
0x94: {  	_ =	strace s5  }
0x95: {  	s5 =	sld [smem:$0x3FFC];
	_ =	sdelay $0x3  }
0x96: {  	_ =	strace s5  }
0x97: {  	s5 =	sld [smem:$0x3FFD];
	_ =	sdelay $0x3  }
0x98: {  	_ =	strace s5  }
0x99: {  	_ =	strace $0x8FFFFFFF  }
0x9a: {  	s19 =	sld [smem:$0x3FDB];
	_ =	sdelay $0x1  }
0x9b: {  	s6 =	simm.s32 $_scs_section_size  }
0x9c: {  	s7 =	simm.s32 $_size__tile_overlayer_lowered;
	s8 =	simm.s32 $_tile_overlayer_lowered  }
0x9d: {  	s22 =	simm.s32 $0x1BFF;
	s21 =	sshll.u32 s8, $0x1;
	s5 =	sadd.s32 s6, s19  }
0x9e: {  	s9 =	simm.s32 $0x0;
	s20 =	sshll.u32 s7, $0x1;
	s7 =	sadd.s32 s21, s5  }
0x9f: {  	[timem:s9], [sflag:s22] =	dma.local [hbm:s7], s20  }
0xa0: {  	_ =	swait.ge [sflag:s22], s20  }
0xa1: {  	s6 =	ssub.s32 $0x0, s20;
	[sflag:s22] =	ssyncset.done $0x0  }
0xa2: {  	[sflag:s22] =	ssyncadd.s32 s6;
	_ =	sdelay $0x1  }
0xa3: {  	s23 =	simm.s32 $0x1B8B  }
0xa4: {  	_ =	swait.ge [sflag:s23], $0x1  }
0xa5: {  	[sflag:s23] =	ssyncset.done $0x0  }
0xa6: {  	s25 =	simm.s32 $0x1B8E;
	s24 =	sld [smem:$0x3FFE];
	[sflag:s23] =	ssyncadd.s32 $0xFFFFFFFF  }
0xa7: {  	s26 =	simm.s32 $execute0_lowered;
	[smem:$0x3FD2] =	sst s25  }
0xa8: {  	s7 =	sshll.u32 s26, $0x1;
	_ =	strace $0x80000046;
	[dreg:$0x1] =	wrdreg $0xFFFFFFFF  }
0xa9: {  	s28 =	simm.s32 $_size_execute0_lowered;
	s5 =	sadd.s32 s5, s7;
	[dreg:$0x0] =	wrdreg $0x0  }
0xaa: {  	s7 =	sshll.u32 s28, $0x1;
	[dreg:$0x2] =	wrdreg s5  }
0xab: {  	[dreg:$0x3] =	wrdreg s7  }
0xac: {  	[dreg:$0x4] =	wrdreg $0xC0  }
0xad: {  	_ =	task [dreg:s9], $0x5FFFF  }
0xae: {  	[dreg:$0x1] =	wrdreg $0xFFFFFFFF  }
0xaf: {  	[dreg:$0x0] =	wrdreg $0x60  }
0xb0: {  	[dreg:$0x2] =	wrdreg s24  }
0xb1: {  	[dreg:$0x3] =	wrdreg s2  }
0xb2: {  	[dreg:$0x4] =	wrdreg s18  }
0xb3: {  	[dreg:$0x5] =	wrdreg s4  }
0xb4: {  	[dreg:$0x6] =	wrdreg $0x1AC000  }
0xb5: {  	[dreg:$0x7] =	wrdreg $0x9  }
0xb6: {  	_ =	task.clear_ibuf [dreg:s9], $0x8FFFF;
	_ =	strace $0x90000046  }
0xb7: {  	s29 =	simm.s32 $0x9;
	_ =	strace $0x80000048  }
0xb8: {  	_ =	swait.ge [sflag:s29], $0x1  }
0xb9: {  	[sflag:s29] =	ssyncadd.s32 $0xFFFFFFFF  }
0xba: {  	_ =	strace $0x90000048  }
0xbb: {  	_ =	sfence  }
0xbc: {  	s30 =	sld [smem:$0x0];
	_ =	sdelay $0x2  }
0xbd: {  	s31 =	sshll.u32 s1, $0xD;
	s1 =	sshrl.u32 s1, $0x2  }
0xbe: {  	s3 =	sand.u32 $0x4000, s31;
	s1 =	sadd.s32 s1, s30  }
0xbf: {  	s0 =	sor.u32 s3, s0;
	s1 =	sshll.u32 s1, $0x11  }
0xc0: {  	s0 =	sor.u32 s1, s0  }
0xc1: {  	s0 =	sadd.s32 $0x8F2B, s0  }
0xc2: {  	[sflag:s0] =	ssyncadd.remote.s32 $0x1  }
0xc3: {  	_ =	sfence.sel $0xFFFF  }
0xc4: {  	[dreg:$0x0] =	wrdreg $0xFFFFFFFF;
	(pc) =	sbr.abs _section_cstart, $3  }
0xc5: {  	[dreg:$0x1] =	wrdreg $0xFFFFFFFF  }
0xc6: {  	_ =	task.clear_ibuf [dreg:s9], $0x2FFFF;
	_ =	strace $0x9FFFFFFF  }
0xc7: {  	(tm) =	ssettm $0x7FFFFFFF  }
tec
execute0_lowered:
.L_overlay_start_1:
0x0: {  	(tag) =	ssettag $0x1  }
0x1: {  	s0 =	rddreg [dreg:$0x0]  }
0x2: {  	s1 =	rddreg [dreg:$0x1]  }
0x3: {  	s2 =	rddreg [dreg:$0x3]  }
0x4: {  	s3 =	rddreg [dreg:$0x4]  }
0x5: {  	s5 =	srdreg.scid;
	s10 =	stileid.u32;
	s4 =	simm.s32 $0x0  }
0x6: {  	s12 =	simm.s32 $0xE400;
	s13 =	simm.s32 $0x64;
	s14 =	simm.s32 $0x11600  }
0x7: {  	s31 =	simm.s32 $0x17A00;
	s15 =	simm.s32 $0x14800;
	s16 =	simm.s32 $0x1  }
0x8: {  	s17 =	simm.s32 $0x8000;
	s18 =	simm.s32 $0x2;
	s19 =	simm.s32 $0x3  }
0x9: {  	s20 =	simm.s32 $0x4;
	s28 =	simm.s32 $0x6;
	s29 =	simm.s32 $0x0  }
0xa: {  	s6 =	sand.u32 $0x1, s5;
	s23 =	sshll.u32 s10, $0x1;
	[smem:$0x7FF] =	sst s4  }
0xb: {  	s9 =	smul.u32 $0xC8000, s10;
	p0 =	sne.s32 s10, $0x0;
	s5 =	sor.u32 s6, s23  }
0xc: {  	s8 =	ssub.s32 $0x2, s6;
	_ =	strace $0x80000047;
	s11 =	smul.u32 $0x64000, s6  }
0xd: {  	s10 =	sshrl.u32 @!p0 s3, $0x3;
	[dreg:$0x6] =	wrdreg s31;
	s7 =	sshll.u32 s5, $0xC  }
0xe: {  	s5 =	smul.u32 $0x320000, s5;
	s24 =	sshrl.u32 s8, $0x1;
	s30 =	sadd.s32 s9, s2  }
0xf: {  	s0 =	sadd.s32 s7, s0;
	s8 =	ssub.s32 s8, s24;
	s9 =	sadd.s32 s11, s30  }
0x10: {  	s11 =	simm.s32 $0x7;
	s24 =	simm.s32 $0x5;
	s25 =	sshrl.u32 s5, $0x3  }
0x11: {  	s5 =	sadd.s32 $0x400, s0;
	s8 =	smax.u32 s8, $0x1;
	s26 =	sadd.s32 s2, s25  }
0x12: {  	s6 =	sadd.s32 $0x62700, s26;
	s7 =	sadd.s32 $0x63380, s26;
	s26 =	simm.s32 $0x7F80  }
.LBB2_1:
0x13: {  	s0 =	simm.s32 @!p0 $0x1C07;
	s2 =	rddreg [dreg:$0x2]  }
0x14: {  	[spmem:s10], [sflag:s0] =	dma.local @!p0 [hbm:s2], $0xC80  }
0x15: {  	s0 =	simm.s32 @!p0 $0x7  }
0x16: {  	_ =	swait.ge @!p0 [sflag:s0], $0xC80  }
0x17: {  	[sflag:s0] =	ssyncset.done @!p0 $0x0  }
0x18: {  	[sflag:s0] =	ssyncadd.s32 @!p0 $0xFFFFF380  }
0x19: {  	[bflag:$0x0] =	sbarrier.arrive $0xFFFF  }
0x1a: {  	[tilespmem:s4], [sflag:$0x7] =	stream.linear.gather [hbm4b:s5+s4], $0x8000, $0x38;
	[tilespmem:$0x1B240] =	vst v63  }
0x1b: {  	p1 =	por $0x1, $0x1;
	_ =	swait.ge [sflag:s11], $0x8000  }
0x1c: {  	p1 =	por p1, p1;
	[sflag:s11] =	ssyncset.done $0x0  }
0x1d: {  	s2 =	simm.s32 @p1 $0x7;
	s0 =	simm.s32 @p1 $0x8000;
	[sflag:s11] =	ssyncadd.s32 $0xFFFF8000  }
0x1e: {  	[tilespmem:s0], [sflag:$0x7] =	stream.linear.gather @p1 [spmem:s3], $0x6400, $0x38;
	[tilespmem:$0x1B240] =	vst v63  }
0x1f: {  	_ =	swait.ge @p1 [sflag:s2], $0x6400  }
0x20: {  	[sflag:s2] =	ssyncset.done @p1 $0x0  }
0x21: {  	s30 =	simm.s32 @p1 $0x0;
	[sflag:s2] =	ssyncadd.s32 @p1 $0xFFFF9C00;
	s2 =	simm.s32 @p1 $0x64  }
0x22: {  	[tilespmem:s0], [sflag:$0x1] =	stream.indirect.gather.add.f32 @p1 [hbm:s1], $0x80, s30, s2, $0xb8;
	[tilespmem:$0x1B240] =	vst v63  }
0x23: {  	s31 =	simm.s32 @!p1 $0x4;
	s0 =	simm.s32 @p1 $0x80;
	s30 =	simm.s32 @p1 $0xB200  }
0x24: {  	[tilespmem:s30], [sflag:$0x1] =	stream.indirect.gather.add.f32 @p1 [hbm:s1], $0x80, s0, s2, $0xb8;
	[tilespmem:$0x1B240] =	vst v63  }
0x25: {  	_ =	swait.ge @!p1 [sflag:s31], $0x6400  }
0x26: {  	[sflag:s31] =	ssyncset.done @!p1 $0x0  }
0x27: {  	s0 =	simm.s32 @!p1 $0x8000;
	s2 =	simm.s32 @!p1 $0x7;
	[sflag:s31] =	ssyncadd.s32 @!p1 $0xFFFF9C00  }
0x28: {  	[tilespmem:s0], [sflag:$0x7] =	stream.linear.gather @!p1 [spmem:s3], $0x6400, $0x38;
	[tilespmem:$0x1B240] =	vst v63  }
0x29: {  	_ =	swait.ge @!p1 [sflag:s2], $0x6400  }
0x2a: {  	[sflag:s2] =	ssyncset.done @!p1 $0x0  }
0x2b: {  	s30 =	simm.s32 @!p1 $0x64;
	[sflag:s2] =	ssyncadd.s32 @!p1 $0xFFFF9C00;
	s2 =	simm.s32 @!p1 $0x0  }
0x2c: {  	[tilespmem:s0], [sflag:$0x1] =	stream.indirect.gather.add.f32 @!p1 [hbm:s1], $0x80, s2, s30, $0xb8;
	[tilespmem:$0x1B240] =	vst v63  }
0x2d: {  	s31 =	simm.s32 @!p1 $0x5;
	s0 =	simm.s32 @!p1 $0x80;
	s2 =	simm.s32 @!p1 $0xB200  }
0x2e: {  	[tilespmem:s2], [sflag:$0x1] =	stream.indirect.gather.add.f32 @!p1 [hbm:s1], $0x80, s0, s30, $0xb8;
	[tilespmem:$0x1B240] =	vst v63  }
0x2f: {  	_ =	swait.ge @!p1 [sflag:s31], $0x6400  }
0x30: {  	[sflag:s31] =	ssyncset.done @!p1 $0x0  }
0x31: {  	[sflag:s31] =	ssyncadd.s32 @!p1 $0xFFFF9C00  }
0x32: {  	[tilespmem:s12], [sflag:$0x7] =	stream.linear.gather [spmem:s3], $0x6400, $0x38;
	[tilespmem:$0x1B240] =	vst v63  }
0x33: {  	_ =	swait.ge [sflag:s11], $0x6400  }
0x34: {  	[sflag:s11] =	ssyncset.done $0x0  }
0x35: {  	s23 =	simm.s32 $0x100;
	[sflag:s11] =	ssyncadd.s32 $0xFFFF9C00  }
0x36: {  	[tilespmem:s12], [sflag:$0x2] =	stream.indirect.gather.add.f32 [hbm:s1], $0x80, s23, s13, $0xb8;
	[tilespmem:$0x1B240] =	vst v63  }
0x37: {  	s25 =	simm.s32 $0x180;
	s2 =	simm.s32 @!p1 $0x6  }
0x38: {  	[tilespmem:s14], [sflag:$0x2] =	stream.indirect.gather.add.f32 [hbm:s1], $0x80, s25, s13, $0xb8;
	[tilespmem:$0x1B240] =	vst v63  }
0x39: {  	_ =	swait.ge @!p1 [sflag:s2], $0x6400  }
0x3a: {  	[sflag:s2] =	ssyncset.done @!p1 $0x0  }
0x3b: {  	[sflag:s2] =	ssyncadd.s32 @!p1 $0xFFFF9C00  }
0x3c: {  	[tilespmem:s15], [sflag:$0x7] =	stream.linear.gather [spmem:s3], $0x6400, $0x38;
	[tilespmem:$0x1B240] =	vst v63  }
0x3d: {  	_ =	swait.ge [sflag:s11], $0x6400  }
0x3e: {  	[sflag:s11] =	ssyncset.done $0x0  }
0x3f: {  	s21 =	simm.s32 $0x200;
	[sflag:s11] =	ssyncadd.s32 $0xFFFF9C00  }
0x40: {  	[tilespmem:s15], [sflag:$0x3] =	stream.indirect.gather.add.f32 [hbm:s1], $0x80, s21, s13, $0xb8;
	[tilespmem:$0x1B240] =	vst v63  }
0x41: {  	s23 =	simm.s32 $0x280;
	s22 =	rddreg [dreg:$0x6]  }
0x42: {  	[tilespmem:s22], [sflag:$0x3] =	stream.indirect.gather.add.f32 [hbm:s1], $0x80, s23, s13, $0xb8;
	[tilespmem:$0x1B240] =	vst v63  }
0x43: {  	_ =	swait.ge [sflag:s16], $0x3200  }
0x44: {  	[sflag:s16] =	ssyncset.done $0x0  }
0x45: {  	[sflag:s16] =	ssyncadd.s32 $0xFFFFCE00  }
0x46: {  	_ =	swait.ge [sflag:s16], $0x3200  }
0x47: {  	[sflag:s16] =	ssyncset.done $0x0  }
0x48: {  	[sflag:s16] =	ssyncadd.s32 $0xFFFFCE00  }
0x49: {  	[hbm4b:s9+s4] =	stream.linear.scatter [tilespmem:s17], [sflag:$0x4], $0x6400, $0x38;
	[tilespmem:$0x1B240] =	vst v63  }
0x4a: {  	_ =	swait.ge [sflag:s18], $0x3200  }
0x4b: {  	[sflag:s18] =	ssyncset.done $0x0  }
0x4c: {  	[sflag:s18] =	ssyncadd.s32 $0xFFFFCE00  }
0x4d: {  	_ =	swait.ge [sflag:s18], $0x3200  }
0x4e: {  	[sflag:s18] =	ssyncset.done $0x0  }
0x4f: {  	s25 =	sadd.s32 $0xC80, s9;
	[sflag:s18] =	ssyncadd.s32 $0xFFFFCE00  }
0x50: {  	[hbm4b:s25+s4] =	stream.linear.scatter [tilespmem:s12], [sflag:$0x5], $0x6400, $0x38;
	[tilespmem:$0x1B240] =	vst v63  }
0x51: {  	_ =	swait.ge [sflag:s19], $0x3200  }
0x52: {  	[sflag:s19] =	ssyncset.done $0x0  }
0x53: {  	[sflag:s19] =	ssyncadd.s32 $0xFFFFCE00  }
0x54: {  	p6 =	por $0x0, $0x0;
	s0 =	simm.s32 $0x1800;
	_ =	swait.ge [sflag:s19], $0x3200  }
0x55: {  	s30 =	sadd.s32 $0x2580, s9;
	s31 =	simm.s32 $0xC00;
	[sflag:s19] =	ssyncset.done $0x0  }
0x56: {  	p1 =	por p6, p6;
	s2 =	sadd.s32 $0x1900, s9;
	[sflag:s19] =	ssyncadd.s32 $0xFFFFCE00  }
.LBB2_2:
0x57: {  	[hbm4b:s2+s4] =	stream.linear.scatter [tilespmem:s15], [sflag:$0x6], $0x6400, $0x38;
	[tilespmem:$0x1B240] =	vst v63  }
0x58: {  	s2 =	simm.s32 @p1 $0x8000;
	s21 =	simm.s32 @p1 $0x7  }
0x59: {  	[tilespmem:s2], [sflag:$0x7] =	stream.linear.gather @p1 [spmem:s3], $0x6400, $0x38;
	[tilespmem:$0x1B240] =	vst v63  }
0x5a: {  	_ =	swait.ge @p1 [sflag:s21], $0x6400  }
0x5b: {  	[sflag:s21] =	ssyncset.done @p1 $0x0  }
0x5c: {  	s23 =	simm.s32 @p1 $0x0;
	[sflag:s21] =	ssyncadd.s32 @p1 $0xFFFF9C00;
	s21 =	simm.s32 @p1 $0x64  }
0x5d: {  	[tilespmem:s2], [sflag:$0x1] =	stream.indirect.gather.add.f32 @p1 [hbm:s1], $0x80, s23, s21, $0xb8;
	[tilespmem:$0x1B240] =	vst v63  }
0x5e: {  	s25 =	simm.s32 @!p1 $0x4;
	s2 =	simm.s32 @p1 $0x80;
	s23 =	simm.s32 @p1 $0xB200  }
0x5f: {  	[tilespmem:s23], [sflag:$0x1] =	stream.indirect.gather.add.f32 @p1 [hbm:s1], $0x80, s2, s21, $0xb8;
	[tilespmem:$0x1B240] =	vst v63  }
0x60: {  	_ =	swait.ge @!p1 [sflag:s25], $0x6400  }
0x61: {  	[sflag:s25] =	ssyncset.done @!p1 $0x0  }
0x62: {  	s2 =	simm.s32 @!p1 $0x8000;
	s21 =	simm.s32 @!p1 $0x7;
	[sflag:s25] =	ssyncadd.s32 @!p1 $0xFFFF9C00  }
0x63: {  	[tilespmem:s2], [sflag:$0x7] =	stream.linear.gather @!p1 [spmem:s3], $0x6400, $0x38;
	[tilespmem:$0x1B240] =	vst v63  }
0x64: {  	_ =	swait.ge @!p1 [sflag:s21], $0x6400  }
0x65: {  	[sflag:s21] =	ssyncset.done @!p1 $0x0  }
0x66: {  	s23 =	simm.s32 @!p1 $0x64;
	[sflag:s21] =	ssyncadd.s32 @!p1 $0xFFFF9C00;
	s21 =	sshra.s32 @!p1 s31, $0x2  }
0x67: {  	[tilespmem:s2], [sflag:$0x1] =	stream.indirect.gather.add.f32 @!p1 [hbm:s1], $0x80, s21, s23, $0xb8;
	[tilespmem:$0x1B240] =	vst v63  }
0x68: {  	s25 =	simm.s32 @!p1 $0x5;
	s2 =	sadd.s32 @!p1 $0x80, s21;
	s21 =	simm.s32 @!p1 $0xB200  }
0x69: {  	[tilespmem:s21], [sflag:$0x1] =	stream.indirect.gather.add.f32 @!p1 [hbm:s1], $0x80, s2, s23, $0xb8;
	[tilespmem:$0x1B240] =	vst v63  }
0x6a: {  	_ =	swait.ge @!p1 [sflag:s25], $0x6400  }
0x6b: {  	[sflag:s25] =	ssyncset.done @!p1 $0x0  }
0x6c: {  	[sflag:s25] =	ssyncadd.s32 @!p1 $0xFFFF9C00  }
0x6d: {  	[tilespmem:s12], [sflag:$0x7] =	stream.linear.gather [spmem:s3], $0x6400, $0x38;
	[tilespmem:$0x1B240] =	vst v63  }
0x6e: {  	_ =	swait.ge [sflag:s11], $0x6400  }
0x6f: {  	s2 =	sshra.s32 s31, $0x2;
	[sflag:s11] =	ssyncset.done $0x0  }
0x70: {  	s22 =	smov.u32 s0;
	s23 =	sadd.s32 $0x100, s2;
	[sflag:s11] =	ssyncadd.s32 $0xFFFF9C00  }
0x71: {  	[tilespmem:s12], [sflag:$0x2] =	stream.indirect.gather.add.f32 [hbm:s1], $0x80, s23, s13, $0xb8;
	[tilespmem:$0x1B240] =	vst v63  }
0x72: {  	s31 =	smov.u32 s22;
	s22 =	simm.s32 @!p1 $0x6;
	s25 =	sadd.s32 $0x180, s2  }
0x73: {  	[tilespmem:s14], [sflag:$0x2] =	stream.indirect.gather.add.f32 [hbm:s1], $0x80, s25, s13, $0xb8;
	[tilespmem:$0x1B240] =	vst v63  }
0x74: {  	_ =	swait.ge @!p1 [sflag:s22], $0x6400  }
0x75: {  	[sflag:s22] =	ssyncset.done @!p1 $0x0  }
0x76: {  	[sflag:s22] =	ssyncadd.s32 @!p1 $0xFFFF9C00  }
0x77: {  	[tilespmem:s15], [sflag:$0x7] =	stream.linear.gather [spmem:s3], $0x6400, $0x38;
	[tilespmem:$0x1B240] =	vst v63  }
0x78: {  	_ =	swait.ge [sflag:s11], $0x6400  }
0x79: {  	[sflag:s11] =	ssyncset.done $0x0  }
0x7a: {  	s22 =	sadd.s32 $0x200, s2;
	[sflag:s11] =	ssyncadd.s32 $0xFFFF9C00  }
0x7b: {  	[tilespmem:s15], [sflag:$0x3] =	stream.indirect.gather.add.f32 [hbm:s1], $0x80, s22, s13, $0xb8;
	[tilespmem:$0x1B240] =	vst v63  }
0x7c: {  	s2 =	sadd.s32 $0x280, s2;
	s23 =	rddreg [dreg:$0x6]  }
0x7d: {  	[tilespmem:s23], [sflag:$0x3] =	stream.indirect.gather.add.f32 [hbm:s1], $0x80, s2, s13, $0xb8;
	[tilespmem:$0x1B240] =	vst v63  }
0x7e: {  	_ =	swait.ge [sflag:s16], $0x3200  }
0x7f: {  	[sflag:s16] =	ssyncset.done $0x0  }
0x80: {  	[sflag:s16] =	ssyncadd.s32 $0xFFFFCE00  }
0x81: {  	_ =	swait.ge [sflag:s16], $0x3200  }
0x82: {  	[sflag:s16] =	ssyncset.done $0x0  }
0x83: {  	[sflag:s16] =	ssyncadd.s32 $0xFFFFCE00  }
0x84: {  	[hbm4b:s30+s4] =	stream.linear.scatter [tilespmem:s17], [sflag:$0x4], $0x6400, $0x38;
	[tilespmem:$0x1B240] =	vst v63  }
0x85: {  	_ =	swait.ge [sflag:s18], $0x3200  }
0x86: {  	[sflag:s18] =	ssyncset.done $0x0  }
0x87: {  	[sflag:s18] =	ssyncadd.s32 $0xFFFFCE00  }
0x88: {  	_ =	swait.ge [sflag:s18], $0x3200  }
0x89: {  	p3 =	seq.s32 s0, $0x0;
	[sflag:s18] =	ssyncset.done $0x0  }
0x8a: {  	s0 =	sadd.s32 $0xC00, s0;
	s25 =	sadd.s32 $0xC80, s30;
	[sflag:s18] =	ssyncadd.s32 $0xFFFFCE00  }
0x8b: {  	[hbm4b:s25+s4] =	stream.linear.scatter [tilespmem:s12], [sflag:$0x5], $0x6400, $0x38;
	[tilespmem:$0x1B240] =	vst v63  }
0x8c: {  	p2 =	sne.s32 s0, $0x1F800;
	_ =	swait.ge [sflag:s19], $0x3200  }
.Ltmp0:
0x8d: {  	[sflag:s19] =	ssyncset.done $0x0;
	(pc) =	sbr.rel @p2 .LBB2_2-.Ltmp0, $4  }
0x8e: {  	[sflag:s19] =	ssyncadd.s32 $0xFFFFCE00  }
0x8f: {  	_ =	swait.ge [sflag:s19], $0x3200  }
0x90: {  	p1 =	por p3, p3;
	[sflag:s19] =	ssyncset.done $0x0  }
0x91: {  	s2 =	sadd.s32 $0x1900, s30;
	s30 =	sadd.s32 $0x2580, s30;
	[sflag:s19] =	ssyncadd.s32 $0xFFFFCE00  }
0x92: {  	[hbm4b:s2+s4] =	stream.linear.scatter [tilespmem:s15], [sflag:$0x6], $0x6400, $0x38;
	[tilespmem:$0x1B240] =	vst v63  }
0x93: {  	s0 =	simm.s32 @p1 $0x8000;
	s2 =	simm.s32 @p1 $0x7  }
0x94: {  	[tilespmem:s0], [sflag:$0x7] =	stream.linear.gather @p1 [spmem:s3], $0x6400, $0x38;
	[tilespmem:$0x1B240] =	vst v63  }
0x95: {  	_ =	swait.ge @p1 [sflag:s2], $0x6400  }
0x96: {  	[sflag:s2] =	ssyncset.done @p1 $0x0  }
0x97: {  	s21 =	simm.s32 @p1 $0x0;
	[sflag:s2] =	ssyncadd.s32 @p1 $0xFFFF9C00;
	s2 =	simm.s32 @p1 $0x64  }
0x98: {  	[tilespmem:s0], [sflag:$0x1] =	stream.indirect.gather.add.f32 @p1 [hbm:s1], $0x80, s21, s2, $0xb8;
	[tilespmem:$0x1B240] =	vst v63  }
0x99: {  	s0 =	simm.s32 @p1 $0x80;
	s21 =	simm.s32 @p1 $0xB200  }
0x9a: {  	[tilespmem:s21], [sflag:$0x1] =	stream.indirect.gather.add.f32 @p1 [hbm:s1], $0x80, s0, s2, $0xb8;
	[tilespmem:$0x1B240] =	vst v63  }
0x9b: {  	s0 =	simm.s32 @!p1 $0x4  }
0x9c: {  	_ =	swait.ge @!p1 [sflag:s0], $0x6400  }
0x9d: {  	[sflag:s0] =	ssyncset.done @!p1 $0x0  }
0x9e: {  	s2 =	simm.s32 @!p1 $0x7;
	[sflag:s0] =	ssyncadd.s32 @!p1 $0xFFFF9C00;
	s0 =	simm.s32 @!p1 $0x8000  }
0x9f: {  	[tilespmem:s0], [sflag:$0x7] =	stream.linear.gather @!p1 [spmem:s3], $0x6400, $0x38;
	[tilespmem:$0x1B240] =	vst v63  }
0xa0: {  	_ =	swait.ge @!p1 [sflag:s2], $0x6400  }
0xa1: {  	[sflag:s2] =	ssyncset.done @!p1 $0x0  }
0xa2: {  	s21 =	simm.s32 @!p1 $0x64;
	[sflag:s2] =	ssyncadd.s32 @!p1 $0xFFFF9C00;
	s2 =	sshra.s32 @!p1 s31, $0x2  }
0xa3: {  	[tilespmem:s0], [sflag:$0x1] =	stream.indirect.gather.add.f32 @!p1 [hbm:s1], $0x80, s2, s21, $0xb8;
	[tilespmem:$0x1B240] =	vst v63  }
0xa4: {  	s0 =	sadd.s32 @!p1 $0x80, s2;
	s2 =	simm.s32 @!p1 $0xB200  }
0xa5: {  	[tilespmem:s2], [sflag:$0x1] =	stream.indirect.gather.add.f32 @!p1 [hbm:s1], $0x80, s0, s21, $0xb8;
	[tilespmem:$0x1B240] =	vst v63  }
0xa6: {  	s0 =	simm.s32 @!p1 $0x5  }
0xa7: {  	_ =	swait.ge @!p1 [sflag:s0], $0x6400  }
0xa8: {  	[sflag:s0] =	ssyncset.done @!p1 $0x0  }
0xa9: {  	[sflag:s0] =	ssyncadd.s32 @!p1 $0xFFFF9C00  }
0xaa: {  	[tilespmem:s12], [sflag:$0x7] =	stream.linear.gather [spmem:s3], $0x6400, $0x38;
	[tilespmem:$0x1B240] =	vst v63  }
0xab: {  	_ =	swait.ge [sflag:s11], $0x6400  }
0xac: {  	s0 =	sshra.s32 s31, $0x2;
	[sflag:s11] =	ssyncset.done $0x0  }
0xad: {  	s22 =	sadd.s32 $0x100, s0;
	[sflag:s11] =	ssyncadd.s32 $0xFFFF9C00  }
0xae: {  	[tilespmem:s12], [sflag:$0x2] =	stream.indirect.gather.add.f32 [hbm:s1], $0x80, s22, s13, $0xb8;
	[tilespmem:$0x1B240] =	vst v63  }
0xaf: {  	s21 =	simm.s32 @!p1 $0x6;
	s23 =	sadd.s32 $0x180, s0  }
0xb0: {  	[tilespmem:s14], [sflag:$0x2] =	stream.indirect.gather.add.f32 [hbm:s1], $0x80, s23, s13, $0xb8;
	[tilespmem:$0x1B240] =	vst v63  }
0xb1: {  	_ =	swait.ge @!p1 [sflag:s21], $0x6400  }
0xb2: {  	[sflag:s21] =	ssyncset.done @!p1 $0x0  }
0xb3: {  	[sflag:s21] =	ssyncadd.s32 @!p1 $0xFFFF9C00  }
0xb4: {  	[tilespmem:s15], [sflag:$0x7] =	stream.linear.gather [spmem:s3], $0x6400, $0x38;
	[tilespmem:$0x1B240] =	vst v63  }
0xb5: {  	_ =	swait.ge [sflag:s11], $0x6400  }
0xb6: {  	[sflag:s11] =	ssyncset.done $0x0  }
0xb7: {  	s25 =	sadd.s32 $0x200, s0;
	[sflag:s11] =	ssyncadd.s32 $0xFFFF9C00  }
0xb8: {  	[tilespmem:s15], [sflag:$0x3] =	stream.indirect.gather.add.f32 [hbm:s1], $0x80, s25, s13, $0xb8;
	[tilespmem:$0x1B240] =	vst v63  }
0xb9: {  	s0 =	sadd.s32 $0x280, s0;
	s31 =	rddreg [dreg:$0x6]  }
0xba: {  	[tilespmem:s31], [sflag:$0x3] =	stream.indirect.gather.add.f32 [hbm:s1], $0x80, s0, s13, $0xb8;
	[tilespmem:$0x1B240] =	vst v63  }
0xbb: {  	_ =	swait.ge [sflag:s16], $0x3200  }
0xbc: {  	[sflag:s16] =	ssyncset.done $0x0  }
0xbd: {  	[sflag:s16] =	ssyncadd.s32 $0xFFFFCE00  }
0xbe: {  	_ =	swait.ge [sflag:s16], $0x3200  }
0xbf: {  	[sflag:s16] =	ssyncset.done $0x0  }
0xc0: {  	[sflag:s16] =	ssyncadd.s32 $0xFFFFCE00  }
0xc1: {  	[hbm4b:s30+s4] =	stream.linear.scatter [tilespmem:s17], [sflag:$0x4], $0x6400, $0x38;
	[tilespmem:$0x1B240] =	vst v63  }
0xc2: {  	_ =	swait.ge [sflag:s18], $0x3200  }
0xc3: {  	[sflag:s18] =	ssyncset.done $0x0  }
0xc4: {  	[sflag:s18] =	ssyncadd.s32 $0xFFFFCE00  }
0xc5: {  	_ =	swait.ge [sflag:s18], $0x3200  }
0xc6: {  	[sflag:s18] =	ssyncset.done $0x0  }
0xc7: {  	s21 =	sadd.s32 $0xC80, s30;
	[sflag:s18] =	ssyncadd.s32 $0xFFFFCE00  }
0xc8: {  	[hbm4b:s21+s4] =	stream.linear.scatter [tilespmem:s12], [sflag:$0x5], $0x6400, $0x38;
	[tilespmem:$0x1B240] =	vst v63  }
0xc9: {  	_ =	swait.ge [sflag:s19], $0x3200  }
0xca: {  	[sflag:s19] =	ssyncset.done $0x0  }
0xcb: {  	[sflag:s19] =	ssyncadd.s32 $0xFFFFCE00  }
0xcc: {  	_ =	swait.ge [sflag:s19], $0x3200  }
0xcd: {  	[sflag:s19] =	ssyncset.done $0x0  }
0xce: {  	s22 =	sadd.s32 $0x1900, s30;
	[sflag:s19] =	ssyncadd.s32 $0xFFFFCE00  }
0xcf: {  	[hbm4b:s22+s4] =	stream.linear.scatter [tilespmem:s15], [sflag:$0x6], $0x6400, $0x38;
	[tilespmem:$0x1B240] =	vst v63  }
0xd0: {  	_ =	swait.ge [sflag:s20], $0x6400  }
0xd1: {  	[sflag:s20] =	ssyncset.done $0x0  }
0xd2: {  	[sflag:s20] =	ssyncadd.s32 $0xFFFF9C00  }
0xd3: {  	[tilespmem:s17], [sflag:$0x7] =	stream.linear.gather [spmem:s3], $0x6400, $0x38;
	[tilespmem:$0x1B240] =	vst v63  }
0xd4: {  	_ =	swait.ge [sflag:s11], $0x6400  }
0xd5: {  	[sflag:s11] =	ssyncset.done $0x0  }
0xd6: {  	s23 =	simm.s32 $0x7E00;
	[sflag:s11] =	ssyncadd.s32 $0xFFFF9C00  }
0xd7: {  	[tilespmem:s17], [sflag:$0x1] =	stream.indirect.gather.add.f32 [hbm:s1], $0x80, s23, s13, $0xb8;
	[tilespmem:$0x1B240] =	vst v63  }
0xd8: {  	s25 =	simm.s32 $0x7E80;
	s30 =	simm.s32 $0xB200  }
0xd9: {  	[tilespmem:s30], [sflag:$0x1] =	stream.indirect.gather.add.f32 [hbm:s1], $0x80, s25, s13, $0xb8;
	[tilespmem:$0x1B240] =	vst v63  }
0xda: {  	_ =	swait.ge [sflag:s24], $0x6400  }
0xdb: {  	[sflag:s24] =	ssyncset.done $0x0  }
0xdc: {  	[sflag:s24] =	ssyncadd.s32 $0xFFFF9C00  }
0xdd: {  	[tilespmem:s12], [sflag:$0x7] =	stream.linear.gather [spmem:s3], $0x6400, $0x38;
	[tilespmem:$0x1B240] =	vst v63  }
0xde: {  	_ =	swait.ge [sflag:s11], $0x6400  }
0xdf: {  	[sflag:s11] =	ssyncset.done $0x0  }
0xe0: {  	s31 =	simm.s32 $0x7F00;
	[sflag:s11] =	ssyncadd.s32 $0xFFFF9C00  }
0xe1: {  	[tilespmem:s12], [sflag:$0x2] =	stream.indirect.gather.add.f32 [hbm:s1], $0x80, s31, s13, $0xb8;
	[tilespmem:$0x1B240] =	vst v63  }
0xe2: {  	_ = 	snop  }
0xe3: {  	[tilespmem:s14], [sflag:$0x2] =	stream.indirect.gather.add.f32 [hbm:s1], $0x80, s26, s13, $0xb8;
	[tilespmem:$0x1B240] =	vst v63  }
0xe4: {  	_ =	swait.ge [sflag:s16], $0x3200  }
0xe5: {  	[sflag:s16] =	ssyncset.done $0x0  }
0xe6: {  	[sflag:s16] =	ssyncadd.s32 $0xFFFFCE00  }
0xe7: {  	_ =	swait.ge [sflag:s16], $0x3200  }
0xe8: {  	[sflag:s16] =	ssyncset.done $0x0  }
0xe9: {  	[sflag:s16] =	ssyncadd.s32 $0xFFFFCE00  }
0xea: {  	[hbm4b:s6+s4] =	stream.linear.scatter [tilespmem:s17], [sflag:$0x4], $0x6400, $0x38;
	[tilespmem:$0x1B240] =	vst v63  }
0xeb: {  	_ =	swait.ge [sflag:s18], $0x3200  }
0xec: {  	[sflag:s18] =	ssyncset.done $0x0  }
0xed: {  	[sflag:s18] =	ssyncadd.s32 $0xFFFFCE00  }
0xee: {  	_ =	swait.ge [sflag:s18], $0x3200  }
0xef: {  	[sflag:s18] =	ssyncset.done $0x0  }
0xf0: {  	[sflag:s18] =	ssyncadd.s32 $0xFFFFCE00  }
0xf1: {  	[hbm4b:s7+s4] =	stream.linear.scatter [tilespmem:s12], [sflag:$0x5], $0x6400, $0x38;
	[tilespmem:$0x1B240] =	vst v63  }
0xf2: {  	_ =	swait.ge [sflag:s20], $0x6400  }
0xf3: {  	[sflag:s20] =	ssyncset.done $0x0  }
0xf4: {  	s29 =	sadd.s32 $0x1, s29;
	[sflag:s20] =	ssyncadd.s32 $0xFFFF9C00  }
0xf5: {  	p1 =	sne.s32 s29, s8;
	_ =	swait.ge [sflag:s24], $0x6400  }
.Ltmp1:
0xf6: {  	[sflag:s24] =	ssyncset.done $0x0;
	(pc) =	sbr.rel @p1 .LBB2_1-.Ltmp1, $4  }
0xf7: {  	[sflag:s24] =	ssyncadd.s32 $0xFFFF9C00  }
0xf8: {  	_ =	swait.ge [sflag:s28], $0x6400  }
0xf9: {  	[sflag:s28] =	ssyncset.done $0x0  }
0xfa: {  	[sflag:s28] =	ssyncadd.s32 $0xFFFF9C00  }
0xfb: {  	_ =	sfence.sel $0x180000  }
0xfc: {  	[bflag:$0x0] =	sbarrier.arrive $0xFFFF  }
0xfd: {  	_ =	strace $0x90000047  }
0xfe: {  	[bflag:$0x2] =	sbarrier.arrive $0xFFFF  }
0xff: {  	s0 =	rddreg [dreg:$0x5]  }
0x100: {  	s0 =	sadd.s32 @!p0 $0x100000, s0  }
0x101: {  	[sflag:s0] =	ssyncadd.tile.s32 @!p0 $0x1;
	_ =	shalt  }
.Lfunc_end2:
_tile_overlayer_lowered:
.L_overlay_start_2:
0x102: {  	(tag) =	ssettag $0x2  }
0x103: {  	s0 =	rddreg [dreg:$0x0];
	s2 =	stileid.u32  }
0x104: {  	s1 =	rddreg [dreg:$0x1];
	p0 =	sne.s32 s2, $0x0  }
0x105: {  	s3 =	rddreg [dreg:$0x2];
	[bflag:$0x3] =	sbarrier.arrive $0xFFFF;
	s2 =	simm.s32 @!p0 $0x1C07  }
0x106: {  	[timem:s3], [sflag:s2] =	dma.local @!p0 [hbm:s0], s1  }
0x107: {  	s0 =	simm.s32 @!p0 $0x7  }
0x108: {  	_ =	swait.ge @!p0 [sflag:s0], s1  }
0x109: {  	s1 =	ssub.s32 @!p0 $0x0, s1;
	[sflag:s0] =	ssyncset.done @!p0 $0x0  }
0x10a: {  	[sflag:s0] =	ssyncadd.s32 @!p0 s1  }
0x10b: {  	[bflag:$0x3] =	sbarrier.arrive $0xFFFF  }
0x10c: {  	_ =	shalt  }

</sc_bundles>
